<compile_context>
chip_gen: v7x
topology: tpu7x:2x2x1
jax: 0.10.2.dev20260603
libtpu: 0.0.44.dev20260713+nightly
codegen_flags: <defaults>
</compile_context>

<pallas_src>
import functools

import jax
import jax.numpy as jnp
from jax import lax
from jax.experimental import pallas as pl
from jax.experimental.pallas import tpu as pltpu
from jax.experimental.pallas import tpu_sc as plsc

_SC_CORES = 2
_SC_SUBCORES = 16
_L = 16
_NCHUNK = 4


def _codes_body(fd_ref, cent_ref, msk_ref, out_ref):
    x = fd_ref[0]
    c = cent_ref[0]
    K = c.shape[0]
    d = -2.0 * lax.dot_general(x, c, (((1,), (1,)), ((), ())),
                               preferred_element_type=jnp.float32)
    cn = lax.dot_general(jnp.ones((1, x.shape[1]), jnp.float32), c * c,
                         (((1,), (1,)), ((), ())),
                         preferred_element_type=jnp.float32)
    d = d + cn
    m = jnp.min(d, axis=1, keepdims=True)
    iota = lax.broadcasted_iota(jnp.int32, d.shape, 1)
    idx = jnp.min(jnp.where(d == m, iota, K), axis=1, keepdims=True)
    mask = msk_ref[0] != 0
    out_ref[0] = jnp.where(mask, idx + 2, 1).astype(jnp.int32)


def _match_sc_body(Fn, N, CC, codes_hbm, pat_hbm, out_hbm,
                   table_v, codes_v, pat_v, out_v):
    NV = 515
    wid = lax.axis_index("s") * _SC_CORES + lax.axis_index("c")
    fi = wid // _NCHUNK
    ch = wid % _NCHUNK
    iota = lax.iota(jnp.int32, _L)

    pltpu.sync_copy(codes_hbm, codes_v)
    pltpu.sync_copy(pat_hbm.at[fi, ch], pat_v)

    zeros16 = jnp.zeros((_L,), jnp.int32)

    def zbody(k, carry):
        base = k * 128
        for u in range(8):
            table_v[pl.ds(base + u * _L, _L)] = zeros16
        return carry

    lax.fori_loop(0, Fn * NV * _L // 128, zbody, 0)
    ones16 = jnp.full((_L,), -1, jnp.int32)
    for j in range(Fn):
        table_v[pl.ds(j * NV * _L, _L)] = ones16

    for j in range(Fn):
        def bbody(k, carry, j=j):
            cv = plsc.load_gather(codes_v, [j * N + k + 32 * iota])
            addr = (cv + j * NV) * _L + iota
            bit = jnp.full((_L,), jnp.left_shift(jnp.int32(1), k), jnp.int32)
            plsc.addupdate_scatter(table_v, [addr], bit)
            return carry

        lax.fori_loop(0, 32, bbody, 0)

    def cbody(cg, carry):
        for u in range(4):
            cs = jnp.full((_L,), cg * 4 + u, jnp.int32)
            acc = None
            for j in range(Fn):
                pv = plsc.load_gather(pat_v, [j * CC + cs])
                row = plsc.load_gather(table_v, [(pv + j * NV) * _L + iota])
                acc = row if acc is None else (acc & row)
            plsc.store_scatter(out_v, [iota, cs], acc)
        return carry

    lax.fori_loop(0, CC // 4, cbody, 0)

    pltpu.sync_copy(out_v, out_hbm.at[fi, :, pl.ds(ch * CC, CC)])


def _attn_body(bits_ref, rep_ref, pos_ref, neg_ref, qx_ref,
               wq_ref, bq_ref, wk_ref, bk_ref, wv_ref, bv_ref, wp_ref,
               out_ref):
    i = pl.program_id(0)
    C = rep_ref.shape[1]
    bits = bits_ref[0][:, :C]
    rows = []
    for w in range(bits.shape[0]):
        r = bits[w:w + 1, :]
        lo = r & 0xFFFF
        hi = lax.shift_right_logical(r, 16)
        rows.append(jnp.where(lo != 0, 1.0, 0.0))
        rows.append(jnp.where(hi != 0, 1.0, 0.0))
    mf = jnp.concatenate(rows, axis=0).astype(jnp.float32)

    ratio = pos_ref[0] / (pos_ref[0] + neg_ref[0] + 1e-6)
    rep = rep_ref[0]
    wkT = wk_ref[0]
    wvT = wv_ref[0]
    Fd = rep.shape[1]
    Kc = lax.dot_general(rep, wkT[:Fd, :], (((1,), (0,)), ((), ())),
                         preferred_element_type=jnp.float32)
    Kc = Kc + ratio * wkT[Fd:Fd + 1, :]
    Vc = lax.dot_general(rep, wvT[:Fd, :], (((1,), (0,)), ((), ())),
                         preferred_element_type=jnp.float32)
    Vc = Vc + ratio * wvT[Fd:Fd + 1, :]

    q = lax.dot_general(qx_ref[0], wq_ref[0], (((1,), (1,)), ((), ())),
                        preferred_element_type=jnp.float32) + bq_ref[0]
    qbk = jnp.sum(q * bk_ref[0], axis=1, keepdims=True)
    em = lax.dot_general(q, Kc, (((1,), (1,)), ((), ())),
                         preferred_element_type=jnp.float32)
    e = mf * em + qbk - (1.0 - mf) * 1e7
    emax = jnp.max(e, axis=1, keepdims=True)
    ex = jnp.exp(e - emax)
    a = ex / jnp.sum(ex, axis=1, keepdims=True)
    w = a * mf
    vout = lax.dot_general(w, Vc, (((1,), (0,)), ((), ())),
                           preferred_element_type=jnp.float32) + bv_ref[0]
    contrib = lax.dot_general(vout, wp_ref[0], (((1,), (1,)), ((), ())),
                              preferred_element_type=jnp.float32)

    @pl.when(i == 0)
    def _():
        out_ref[...] = jnp.zeros_like(out_ref)

    out_ref[...] += contrib


def kernel(tdata, f_mask, cohorts_centers, cohorts_pat, cohorts_pat_rep,
           cohorts_pos_cnt, cohorts_neg_cnt, Wq, bq, Wk, bk, Wv, bv, Wpred):
    B, T, Fn, Fd = tdata.shape
    N = B * T
    K = cohorts_centers.shape[1]
    C = cohorts_pat.shape[1]
    O = Wpred.shape[0]

    fdataT = tdata.reshape(N, Fn, Fd).transpose(1, 0, 2)
    mskT = f_mask.reshape(N, Fn).transpose(1, 0).reshape(Fn, N, 1)
    codes = pl.pallas_call(
        _codes_body,
        grid=(Fn,),
        in_specs=[
            pl.BlockSpec((1, N, Fd), lambda i: (i, 0, 0)),
            pl.BlockSpec((1, K, Fd), lambda i: (i, 0, 0)),
            pl.BlockSpec((1, N, 1), lambda i: (i, 0, 0)),
        ],
        out_specs=pl.BlockSpec((1, N, 1), lambda i: (i, 0, 0)),
        out_shape=jax.ShapeDtypeStruct((Fn, N, 1), jnp.int32),
    )(fdataT, cohorts_centers, mskT)

    CC = 768
    Cp = _NCHUNK * CC
    patP = jnp.pad(cohorts_pat, ((0, 0), (0, Cp - C), (0, 0)),
                   constant_values=K + 2)
    patP = (patP.transpose(0, 2, 1).reshape(Fn, Fn, _NCHUNK, CC)
            .transpose(0, 2, 1, 3).reshape(Fn, _NCHUNK, Fn * CC))
    mesh = plsc.VectorSubcoreMesh(core_axis_name="c", subcore_axis_name="s",
                                  num_cores=_SC_CORES,
                                  num_subcores=_SC_SUBCORES)
    NW = N // 32
    bitsP = pl.kernel(
        functools.partial(_match_sc_body, Fn, N, CC),
        out_type=jax.ShapeDtypeStruct((Fn, NW, Cp), jnp.int32),
        mesh=mesh,
        compiler_params=pltpu.CompilerParams(needs_layout_passes=False),
        scratch_types=[
            pltpu.VMEM((Fn * 515 * _L,), jnp.int32),
            pltpu.VMEM((N * Fn,), jnp.int32),
            pltpu.VMEM((CC * Fn,), jnp.int32),
            pltpu.VMEM((NW, CC), jnp.int32),
        ],
    )(codes.reshape(Fn * N), patP)

    posT = cohorts_pos_cnt.reshape(Fn, C, 1)
    negT = cohorts_neg_cnt.reshape(Fn, C, 1)
    qx = tdata[:, -1].transpose(1, 0, 2)
    WkT = Wk.transpose(0, 2, 1)
    WvT = Wv.transpose(0, 2, 1)
    WpT = Wpred.reshape(O, Fn, Fd + 1).transpose(1, 0, 2)
    bq3 = bq.reshape(Fn, 1, Fd)
    bk3 = bk.reshape(Fn, 1, Fd)
    bv3 = bv.reshape(Fn, 1, Fd + 1)

    out = pl.pallas_call(
        _attn_body,
        grid=(Fn,),
        in_specs=[
            pl.BlockSpec((1, NW, Cp), lambda i: (i, 0, 0)),
            pl.BlockSpec((1, C, Fd), lambda i: (i, 0, 0)),
            pl.BlockSpec((1, C, 1), lambda i: (i, 0, 0)),
            pl.BlockSpec((1, C, 1), lambda i: (i, 0, 0)),
            pl.BlockSpec((1, B, Fd), lambda i: (i, 0, 0)),
            pl.BlockSpec((1, Fd, Fd), lambda i: (i, 0, 0)),
            pl.BlockSpec((1, 1, Fd), lambda i: (i, 0, 0)),
            pl.BlockSpec((1, Fd + 1, Fd), lambda i: (i, 0, 0)),
            pl.BlockSpec((1, 1, Fd), lambda i: (i, 0, 0)),
            pl.BlockSpec((1, Fd + 1, Fd + 1), lambda i: (i, 0, 0)),
            pl.BlockSpec((1, 1, Fd + 1), lambda i: (i, 0, 0)),
            pl.BlockSpec((1, O, Fd + 1), lambda i: (i, 0, 0)),
        ],
        out_specs=pl.BlockSpec((B, O), lambda i: (0, 0)),
        out_shape=jax.ShapeDtypeStruct((B, O), jnp.float32),
    )(bitsP, cohorts_pat_rep, posT, negT, qx,
      Wq, bq3, WkT, bk3, WvT, bv3, WpT)
    return out

# --- scband reference (transcript-rebuilt; emitter-appended) ---
"""Pipeline reference for scband-cohort-exploitation-module-7584912244842 (READ-ONLY COPY).

The authoritative reference and input builder live on the scoring server;
editing this copy changes nothing except your own understanding.
"""

import jax, jax.numpy as jnp
import numpy as np

B, T, F_NUM, F_DIM = 32, 16, 8, 64
O_DIM, K, COHORT = 2, 512, 3000

def setup_inputs(seed: int = 0) -> dict:
    key = jax.random.key(seed)
    ks = jax.random.split(key, 16)
    tdata = jax.random.normal(ks[0], (B, T, F_NUM, F_DIM), dtype=jnp.float32)
    f_mask = jax.random.randint(ks[1], (B, T, F_NUM), 0, 2).astype(jnp.int32)
    cohorts_centers = jax.random.normal(ks[2], (F_NUM, K, F_DIM), dtype=jnp.float32)
    cohorts_pat = jax.random.randint(ks[3], (F_NUM, COHORT, F_NUM), 0, K + 2).astype(jnp.int32)
    cohorts_pat_rep = jax.random.normal(ks[4], (F_NUM, COHORT, F_DIM), dtype=jnp.float32)
    cohorts_pos_cnt = jax.random.uniform(ks[5], (F_NUM, COHORT), dtype=jnp.float32)
    cohorts_neg_cnt = jax.random.uniform(ks[6], (F_NUM, COHORT), dtype=jnp.float32)
    s = 1.0 / np.sqrt(F_DIM)
    Wq = jax.random.uniform(ks[7], (F_NUM, F_DIM, F_DIM), minval=-s, maxval=s, dtype=jnp.float32)
    bq = jax.random.uniform(ks[8], (F_NUM, F_DIM), minval=-s, maxval=s, dtype=jnp.float32)
    sk = 1.0 / np.sqrt(F_DIM + 1)
    Wk = jax.random.uniform(ks[9], (F_NUM, F_DIM, F_DIM + 1), minval=-sk, maxval=sk, dtype=jnp.float32)
    bk = jax.random.uniform(ks[10], (F_NUM, F_DIM), minval=-sk, maxval=sk, dtype=jnp.float32)
    Wv = jax.random.uniform(ks[11], (F_NUM, F_DIM + 1, F_DIM + 1), minval=-sk, maxval=sk, dtype=jnp.float32)
    bv = jax.random.uniform(ks[12], (F_NUM, F_DIM + 1), minval=-sk, maxval=sk, dtype=jnp.float32)
    sp = 1.0 / np.sqrt(F_NUM * (F_DIM + 1))
    Wpred = jax.random.uniform(ks[13], (O_DIM, F_NUM * (F_DIM + 1)), minval=-sp, maxval=sp, dtype=jnp.float32)
    return dict(tdata=tdata, f_mask=f_mask, cohorts_centers=cohorts_centers,
                cohorts_pat=cohorts_pat, cohorts_pat_rep=cohorts_pat_rep,
                cohorts_pos_cnt=cohorts_pos_cnt, cohorts_neg_cnt=cohorts_neg_cnt,
                Wq=Wq, bq=bq, Wk=Wk, bk=bk, Wv=Wv, bv=bv, Wpred=Wpred)

def _compute_codes(x, c):
    # ||x-c||^2 = -2 x.c + ||x||^2 + ||c||^2, then argmin over centers
    d = -2.0 * (x @ c.T)
    d = d + jnp.sum(x ** 2, axis=1, keepdims=True)
    d = d + jnp.sum(c ** 2, axis=1)[None, :]
    return jnp.argmin(d, axis=1).astype(jnp.int32)

def reference(tdata, f_mask, cohorts_centers, cohorts_pat, cohorts_pat_rep,
              cohorts_pos_cnt, cohorts_neg_cnt, Wq, bq, Wk, bk, Wv, bv, Wpred):
    B_, T_, Fn, Fd = tdata.shape
    N = B_ * T_
    fdata = tdata.reshape(N, Fn, Fd)
    fmask_flat = f_mask.reshape(N, Fn)
    # VQ code assignment per feature; masked-out rows get code 1, real codes shifted by +2
    codes = []
    for i in range(Fn):
        ci = _compute_codes(fdata[:, i, :], cohorts_centers[i])
        m = fmask_flat[:, i] != 0
        codes.append(jnp.where(m, ci + 2, jnp.int32(1)))
    f_codes = jnp.stack(codes, axis=1)  # [N, Fn] int32
    reps = []
    for i in range(Fn):
        ratio = cohorts_pos_cnt[i] / (cohorts_pos_cnt[i] + cohorts_neg_cnt[i] + 1e-6)
        cp_rep = jnp.concatenate([cohorts_pat_rep[i], ratio[:, None]], axis=1)  # [C, Fd+1]
        pmask = (cohorts_pat[i] != 0).astype(jnp.int32)  # [C, Fn]
        pattern_code = f_codes[:, None, :] * pmask[None, :, :]  # [N, C, Fn]
        match_nt = jnp.all(pattern_code == cohorts_pat[i][None, :, :], axis=2)  # [N, C]
        match = jnp.any(match_nt.reshape(B_, T_, -1), axis=1)  # [B, C] bool
        prep = match[:, :, None].astype(jnp.float32) * cp_rep[None, :, :]  # [B, C, Fd+1]
        # FinalAttentionQKV, attention_type='mul'
        query = tdata[:, -1, i, :]  # [B, Fd]
        q = query @ Wq[i].T + bq[i]  # [B, h]
        k = prep @ Wk[i].T + bk[i]   # [B, C, h]
        v = prep @ Wv[i].T + bv[i]   # [B, C, Fd+1]
        e = jnp.einsum('bch,bh->bc', k, q)
        e = e - (1.0 - match.astype(jnp.float32)) * 1e7
        a = jax.nn.softmax(e, axis=-1)
        vout = jnp.einsum('bc,bcd->bd', a, v)  # [B, Fd+1]
        reps.append(vout)
    sample_f_cohort_rep = jnp.stack(reps, axis=1)  # [B, Fn, Fd+1]
    out = sample_f_cohort_rep.reshape(B_, -1) @ Wpred.T  # [B, O_DIM]
    return out

if __name__ == "__main__":
    import jax
    _d = setup_inputs()
    print(jax.jit(kernel)(*tuple(_d.values())))

</pallas_src>

<mosaic_0001>
#map = affine_map<(d0, d1) -> (0)>
#map1 = affine_map<(d0, d1) -> (0, 0, 0)>
module attributes {stable_mosaic.version = 14 : i64} {
  func.func @_match_sc_body(%arg0: i32, %arg1: i32, %arg2: memref<4096xi32, #tpu.memory_space<hbm>>, %arg3: memref<8x4x6144xi32, #tpu.memory_space<hbm>>, %arg4: memref<8x16x3072xi32, #tpu.memory_space<hbm>>, %arg5: memref<65920xi32, #tpu.memory_space<vmem>>, %arg6: memref<4096xi32, #tpu.memory_space<vmem>>, %arg7: memref<6144xi32, #tpu.memory_space<vmem>>, %arg8: memref<16x768xi32, #tpu.memory_space<vmem>>) attributes {dimension_semantics = [#tpu.dimension_semantics<core_parallel>, #tpu.dimension_semantics<subcore_parallel>], iteration_bounds = array<i64: 2, 16>, scalar_prefetch = 0 : i64, scratch_operands = 4 : i64, tpu.core_type = #tpu.core_type<sc_vector_subcore>, window_params = [{transform_indices = #map}, {transform_indices = #map1}, {transform_indices = #map1}]} {
    %mul3A = arith.constant 2 : i32
    %mul3A_0 = arith.muli %arg1, %mul3A : i32
    %add3A = arith.addi %mul3A_0, %arg0 : i32
    %jit3A = arith.constant 4 : i32
    %div3A = arith.divsi %add3A, %jit3A : i32
    %sign3A = arith.constant 0 : i32
    %sign3A_1 = arith.cmpi sgt, %add3A, %sign3A : i32
    %sign3A_2 = arith.extui %sign3A_1 : i1 to i32
    %sign3A_3 = arith.constant 0 : i32
    %sign3A_4 = arith.cmpi slt, %add3A, %sign3A_3 : i32
    %sign3A_5 = arith.extui %sign3A_4 : i1 to i32
    %sign3A_6 = arith.subi %sign3A_2, %sign3A_5 : i32
    %sign3A_7 = arith.constant 0 : i32
    %sign3A_8 = arith.cmpi sgt, %jit3A, %sign3A_7 : i32
    %sign3A_9 = arith.extui %sign3A_8 : i1 to i32
    %sign3A_10 = arith.constant 0 : i32
    %sign3A_11 = arith.cmpi slt, %jit3A, %sign3A_10 : i32
    %sign3A_12 = arith.extui %sign3A_11 : i1 to i32
    %sign3A_13 = arith.subi %sign3A_9, %sign3A_12 : i32
    %ne3A = arith.cmpi ne, %sign3A_6, %sign3A_13 : i32
    %rem3A = arith.remsi %add3A, %jit3A : i32
    %ne3A_14 = arith.constant 0 : i32
    %ne3A_15 = arith.cmpi ne, %rem3A, %ne3A_14 : i32
    %and3A = arith.andi %ne3A, %ne3A_15 : i1
    %sub3A = arith.constant 1 : i32
    %sub3A_16 = arith.subi %div3A, %sub3A : i32
    %select_n3A = arith.select %and3A, %sub3A_16, %div3A : i32
    %jit3A_17 = arith.constant 4 : i32
    %eq3A = arith.constant 0 : i32
    %eq3A_18 = arith.cmpi eq, %jit3A_17, %eq3A : i32
    %jit3A_19 = arith.constant 1 : i32
    %select_n3A_20 = arith.select %eq3A_18, %jit3A_19, %jit3A_17 : i32
    %rem3A_21 = arith.remsi %add3A, %select_n3A_20 : i32
    %ne3A_22 = arith.constant 0 : i32
    %ne3A_23 = arith.cmpi ne, %rem3A_21, %ne3A_22 : i32
    %lt3A = arith.constant 0 : i32
    %lt3A_24 = arith.cmpi slt, %rem3A_21, %lt3A : i32
    %lt3A_25 = arith.constant 0 : i32
    %lt3A_26 = arith.cmpi slt, %select_n3A_20, %lt3A_25 : i32
    %ne3A_27 = arith.xori %lt3A_24, %lt3A_26 : i1
    %and3A_28 = arith.andi %ne3A_27, %ne3A_23 : i1
    %add3A_29 = arith.addi %rem3A_21, %select_n3A_20 : i32
    %select_n3A_30 = arith.select %and3A_28, %add3A_29, %rem3A_21 : i32
    %iota3A = tpu.iota {dimensions = array<i32: 0>} : vector<16xi32>
    "tpu.region"() ({
      %run_scoped3A = tpu.sem_alloc : memref<!tpu.dma_semaphore, #tpu.memory_space<semaphore_mem>>
      tpu.enqueue_dma source(%arg2 : memref<4096xi32, #tpu.memory_space<hbm>>) target(%arg6 : memref<4096xi32, #tpu.memory_space<vmem>>) target_semaphore(%run_scoped3A : memref<!tpu.dma_semaphore, #tpu.memory_space<semaphore_mem>>)
      tpu.wait_dma2 semaphore(%run_scoped3A : memref<!tpu.dma_semaphore, #tpu.memory_space<semaphore_mem>>) src(%arg2 : memref<4096xi32, #tpu.memory_space<hbm>>) dst(%arg6 : memref<4096xi32, #tpu.memory_space<vmem>>)
      tpu.yield
    }) : () -> ()
    "tpu.region"() ({
      %run_scoped3A = tpu.sem_alloc : memref<!tpu.dma_semaphore, #tpu.memory_space<semaphore_mem>>
      %dma_start3A = arith.constant 0 : i32
      %dma_start3A_110 = tpu.memref_slice %arg3[%select_n3A, %select_n3A_30, %dma_start3A] : memref<8x4x6144xi32, #tpu.memory_space<hbm>> -> memref<1x1x6144xi32, #tpu.memory_space<hbm>>
      %dma_start3A_111 = tpu.memref_squeeze %dma_start3A_110 : memref<1x1x6144xi32, #tpu.memory_space<hbm>> -> memref<6144xi32, #tpu.memory_space<hbm>>
      %dma_start3A_112 = arith.constant 0 : i32
      %dma_start3A_113 = tpu.memref_slice %arg3[%select_n3A, %select_n3A_30, %dma_start3A_112] : memref<8x4x6144xi32, #tpu.memory_space<hbm>> -> memref<1x1x6144xi32, #tpu.memory_space<hbm>>
      %dma_start3A_114 = tpu.memref_squeeze %dma_start3A_113 : memref<1x1x6144xi32, #tpu.memory_space<hbm>> -> memref<6144xi32, #tpu.memory_space<hbm>>
      tpu.enqueue_dma source(%dma_start3A_114 : memref<6144xi32, #tpu.memory_space<hbm>>) target(%arg7 : memref<6144xi32, #tpu.memory_space<vmem>>) target_semaphore(%run_scoped3A : memref<!tpu.dma_semaphore, #tpu.memory_space<semaphore_mem>>)
      %dma_wait3A = arith.constant 0 : i32
      %dma_wait3A_115 = tpu.memref_slice %arg3[%select_n3A, %select_n3A_30, %dma_wait3A] : memref<8x4x6144xi32, #tpu.memory_space<hbm>> -> memref<1x1x6144xi32, #tpu.memory_space<hbm>>
      %dma_wait3A_116 = tpu.memref_squeeze %dma_wait3A_115 : memref<1x1x6144xi32, #tpu.memory_space<hbm>> -> memref<6144xi32, #tpu.memory_space<hbm>>
      %dma_wait3A_117 = arith.constant 0 : i32
      %dma_wait3A_118 = tpu.memref_slice %arg3[%select_n3A, %select_n3A_30, %dma_wait3A_117] : memref<8x4x6144xi32, #tpu.memory_space<hbm>> -> memref<1x1x6144xi32, #tpu.memory_space<hbm>>
      %dma_wait3A_119 = tpu.memref_squeeze %dma_wait3A_118 : memref<1x1x6144xi32, #tpu.memory_space<hbm>> -> memref<6144xi32, #tpu.memory_space<hbm>>
      tpu.wait_dma2 semaphore(%run_scoped3A : memref<!tpu.dma_semaphore, #tpu.memory_space<semaphore_mem>>) src(%dma_wait3A_119 : memref<6144xi32, #tpu.memory_space<hbm>>) dst(%arg7 : memref<6144xi32, #tpu.memory_space<vmem>>)
      tpu.yield
    }) : () -> ()
    %broadcast_in_dim3A = arith.constant 0 : i32
    %broadcast_in_dim3A_31 = vector.broadcast %broadcast_in_dim3A : i32 to vector<16xi32>
    %scan3A = arith.constant 0 : i32
    %scan3A_32 = arith.constant 0 : i32
    %scan3A_33 = arith.constant 515 : i32
    %scan3A_34 = arith.addi %scan3A_32, %scan3A_33 : i32
    %scan3A_35 = arith.constant 1 : i32
    scf.for %scan3A_110 = %scan3A_32 to %scan3A_34 step %scan3A_35  : i32 {
      %mul3A_111 = arith.constant 128 : i32
      %mul3A_112 = arith.muli %scan3A_110, %mul3A_111 : i32
      %add3A_113 = arith.constant 0 : i32
      %add3A_114 = arith.addi %mul3A_112, %add3A_113 : i32
      %swap3A_115 = arith.index_cast %add3A_114 : i32 to index
      %swap3A_116 = tpu.vector_load %arg5[%swap3A_115] {strides = array<i32>} : memref<65920xi32, #tpu.memory_space<vmem>>, vector<16xi32>,
      tpu.vector_store %arg5[%swap3A_115], %broadcast_in_dim3A_31 {strides = array<i32>} : memref<65920xi32, #tpu.memory_space<vmem>>, vector<16xi32>,
      %add3A_117 = arith.constant 16 : i32
      %add3A_118 = arith.addi %mul3A_112, %add3A_117 : i32
      %swap3A_119 = arith.index_cast %add3A_118 : i32 to index
      %swap3A_120 = tpu.vector_load %arg5[%swap3A_119] {strides = array<i32>} : memref<65920xi32, #tpu.memory_space<vmem>>, vector<16xi32>,
      tpu.vector_store %arg5[%swap3A_119], %broadcast_in_dim3A_31 {strides = array<i32>} : memref<65920xi32, #tpu.memory_space<vmem>>, vector<16xi32>,
      %add3A_121 = arith.constant 32 : i32
      %add3A_122 = arith.addi %mul3A_112, %add3A_121 : i32
      %swap3A_123 = arith.index_cast %add3A_122 : i32 to index
      %swap3A_124 = tpu.vector_load %arg5[%swap3A_123] {strides = array<i32>} : memref<65920xi32, #tpu.memory_space<vmem>>, vector<16xi32>,
      tpu.vector_store %arg5[%swap3A_123], %broadcast_in_dim3A_31 {strides = array<i32>} : memref<65920xi32, #tpu.memory_space<vmem>>, vector<16xi32>,
      %add3A_125 = arith.constant 48 : i32
      %add3A_126 = arith.addi %mul3A_112, %add3A_125 : i32
      %swap3A_127 = arith.index_cast %add3A_126 : i32 to index
      %swap3A_128 = tpu.vector_load %arg5[%swap3A_127] {strides = array<i32>} : memref<65920xi32, #tpu.memory_space<vmem>>, vector<16xi32>,
      tpu.vector_store %arg5[%swap3A_127], %broadcast_in_dim3A_31 {strides = array<i32>} : memref<65920xi32, #tpu.memory_space<vmem>>, vector<16xi32>,
      %add3A_129 = arith.constant 64 : i32
      %add3A_130 = arith.addi %mul3A_112, %add3A_129 : i32
      %swap3A_131 = arith.index_cast %add3A_130 : i32 to index
      %swap3A_132 = tpu.vector_load %arg5[%swap3A_131] {strides = array<i32>} : memref<65920xi32, #tpu.memory_space<vmem>>, vector<16xi32>,
      tpu.vector_store %arg5[%swap3A_131], %broadcast_in_dim3A_31 {strides = array<i32>} : memref<65920xi32, #tpu.memory_space<vmem>>, vector<16xi32>,
      %add3A_133 = arith.constant 80 : i32
      %add3A_134 = arith.addi %mul3A_112, %add3A_133 : i32
      %swap3A_135 = arith.index_cast %add3A_134 : i32 to index
      %swap3A_136 = tpu.vector_load %arg5[%swap3A_135] {strides = array<i32>} : memref<65920xi32, #tpu.memory_space<vmem>>, vector<16xi32>,
      tpu.vector_store %arg5[%swap3A_135], %broadcast_in_dim3A_31 {strides = array<i32>} : memref<65920xi32, #tpu.memory_space<vmem>>, vector<16xi32>,
      %add3A_137 = arith.constant 96 : i32
      %add3A_138 = arith.addi %mul3A_112, %add3A_137 : i32
      %swap3A_139 = arith.index_cast %add3A_138 : i32 to index
      %swap3A_140 = tpu.vector_load %arg5[%swap3A_139] {strides = array<i32>} : memref<65920xi32, #tpu.memory_space<vmem>>, vector<16xi32>,
      tpu.vector_store %arg5[%swap3A_139], %broadcast_in_dim3A_31 {strides = array<i32>} : memref<65920xi32, #tpu.memory_space<vmem>>, vector<16xi32>,
      %add3A_141 = arith.constant 112 : i32
      %add3A_142 = arith.addi %mul3A_112, %add3A_141 : i32
      %swap3A_143 = arith.index_cast %add3A_142 : i32 to index
      %swap3A_144 = tpu.vector_load %arg5[%swap3A_143] {strides = array<i32>} : memref<65920xi32, #tpu.memory_space<vmem>>, vector<16xi32>,
      tpu.vector_store %arg5[%swap3A_143], %broadcast_in_dim3A_31 {strides = array<i32>} : memref<65920xi32, #tpu.memory_space<vmem>>, vector<16xi32>,
    }
    %scan3A_36 = arith.constant 515 : i32
    %broadcast_in_dim3A_37 = arith.constant -1 : i32
    %broadcast_in_dim3A_38 = vector.broadcast %broadcast_in_dim3A_37 : i32 to vector<16xi32>
    %swap3A = arith.constant 0 : index
    %swap3A_39 = tpu.vector_load %arg5[%swap3A] {strides = array<i32>} : memref<65920xi32, #tpu.memory_space<vmem>>, vector<16xi32>,
    tpu.vector_store %arg5[%swap3A], %broadcast_in_dim3A_38 {strides = array<i32>} : memref<65920xi32, #tpu.memory_space<vmem>>, vector<16xi32>,
    %swap3A_40 = arith.constant 8240 : index
    %swap3A_41 = tpu.vector_load %arg5[%swap3A_40] {strides = array<i32>} : memref<65920xi32, #tpu.memory_space<vmem>>, vector<16xi32>,
    tpu.vector_store %arg5[%swap3A_40], %broadcast_in_dim3A_38 {strides = array<i32>} : memref<65920xi32, #tpu.memory_space<vmem>>, vector<16xi32>,
    %swap3A_42 = arith.constant 16480 : index
    %swap3A_43 = tpu.vector_load %arg5[%swap3A_42] {strides = array<i32>} : memref<65920xi32, #tpu.memory_space<vmem>>, vector<16xi32>,
    tpu.vector_store %arg5[%swap3A_42], %broadcast_in_dim3A_38 {strides = array<i32>} : memref<65920xi32, #tpu.memory_space<vmem>>, vector<16xi32>,
    %swap3A_44 = arith.constant 24720 : index
    %swap3A_45 = tpu.vector_load %arg5[%swap3A_44] {strides = array<i32>} : memref<65920xi32, #tpu.memory_space<vmem>>, vector<16xi32>,
    tpu.vector_store %arg5[%swap3A_44], %broadcast_in_dim3A_38 {strides = array<i32>} : memref<65920xi32, #tpu.memory_space<vmem>>, vector<16xi32>,
    %swap3A_46 = arith.constant 32960 : index
    %swap3A_47 = tpu.vector_load %arg5[%swap3A_46] {strides = array<i32>} : memref<65920xi32, #tpu.memory_space<vmem>>, vector<16xi32>,
    tpu.vector_store %arg5[%swap3A_46], %broadcast_in_dim3A_38 {strides = array<i32>} : memref<65920xi32, #tpu.memory_space<vmem>>, vector<16xi32>,
    %swap3A_48 = arith.constant 41200 : index
    %swap3A_49 = tpu.vector_load %arg5[%swap3A_48] {strides = array<i32>} : memref<65920xi32, #tpu.memory_space<vmem>>, vector<16xi32>,
    tpu.vector_store %arg5[%swap3A_48], %broadcast_in_dim3A_38 {strides = array<i32>} : memref<65920xi32, #tpu.memory_space<vmem>>, vector<16xi32>,
    %swap3A_50 = arith.constant 49440 : index
    %swap3A_51 = tpu.vector_load %arg5[%swap3A_50] {strides = array<i32>} : memref<65920xi32, #tpu.memory_space<vmem>>, vector<16xi32>,
    tpu.vector_store %arg5[%swap3A_50], %broadcast_in_dim3A_38 {strides = array<i32>} : memref<65920xi32, #tpu.memory_space<vmem>>, vector<16xi32>,
    %swap3A_52 = arith.constant 57680 : index
    %swap3A_53 = tpu.vector_load %arg5[%swap3A_52] {strides = array<i32>} : memref<65920xi32, #tpu.memory_space<vmem>>, vector<16xi32>,
    tpu.vector_store %arg5[%swap3A_52], %broadcast_in_dim3A_38 {strides = array<i32>} : memref<65920xi32, #tpu.memory_space<vmem>>, vector<16xi32>,
    %scan3A_54 = arith.constant 0 : i32
    %scan3A_55 = arith.constant 0 : i32
    %scan3A_56 = arith.constant 32 : i32
    %scan3A_57 = arith.addi %scan3A_55, %scan3A_56 : i32
    %scan3A_58 = arith.constant 1 : i32
    scf.for %scan3A_110 = %scan3A_55 to %scan3A_57 step %scan3A_58  : i32 {
      %add3A_111 = arith.constant 0 : i32
      %add3A_112 = arith.addi %add3A_111, %scan3A_110 : i32
      %mul3A_113 = arith.constant 32 : i32
      %mul3A_114 = vector.broadcast %mul3A_113 : i32 to vector<16xi32>
      %mul3A_115 = arith.muli %mul3A_114, %iota3A : vector<16xi32>
      %add3A_116 = vector.broadcast %add3A_112 : i32 to vector<16xi32>
      %add3A_117 = arith.addi %add3A_116, %mul3A_115 : vector<16xi32>
      %gather3A = tpu.vector_load_idx %arg6[%add3A_117] : memref<4096xi32, #tpu.memory_space<vmem>>[vector<16xi32>], vector<16xi32>,
      %add3A_118 = arith.constant 0 : i32
      %add3A_119 = vector.broadcast %add3A_118 : i32 to vector<16xi32>
      %add3A_120 = arith.addi %gather3A, %add3A_119 : vector<16xi32>
      %mul3A_121 = arith.constant 16 : i32
      %mul3A_122 = vector.broadcast %mul3A_121 : i32 to vector<16xi32>
      %mul3A_123 = arith.muli %add3A_120, %mul3A_122 : vector<16xi32>
      %add3A_124 = arith.addi %mul3A_123, %iota3A : vector<16xi32>
      %shift_left3A = arith.constant 1 : i32
      %shift_left3A_125 = arith.shli %shift_left3A, %scan3A_110 : i32
      %broadcast_in_dim3A_126 = vector.broadcast %shift_left3A_125 : i32 to vector<16xi32>
      tpu.vector_store_idx %arg5[%add3A_124], %broadcast_in_dim3A_126 {add = true} : memref<65920xi32, #tpu.memory_space<vmem>>[vector<16xi32>], vector<16xi32>,
    }
    %scan3A_59 = arith.constant 32 : i32
    %scan3A_60 = arith.constant 0 : i32
    %scan3A_61 = arith.constant 0 : i32
    %scan3A_62 = arith.constant 32 : i32
    %scan3A_63 = arith.addi %scan3A_61, %scan3A_62 : i32
    %scan3A_64 = arith.constant 1 : i32
    scf.for %scan3A_110 = %scan3A_61 to %scan3A_63 step %scan3A_64  : i32 {
      %add3A_111 = arith.constant 512 : i32
      %add3A_112 = arith.addi %add3A_111, %scan3A_110 : i32
      %mul3A_113 = arith.constant 32 : i32
      %mul3A_114 = vector.broadcast %mul3A_113 : i32 to vector<16xi32>
      %mul3A_115 = arith.muli %mul3A_114, %iota3A : vector<16xi32>
      %add3A_116 = vector.broadcast %add3A_112 : i32 to vector<16xi32>
      %add3A_117 = arith.addi %add3A_116, %mul3A_115 : vector<16xi32>
      %gather3A = tpu.vector_load_idx %arg6[%add3A_117] : memref<4096xi32, #tpu.memory_space<vmem>>[vector<16xi32>], vector<16xi32>,
      %add3A_118 = arith.constant 515 : i32
      %add3A_119 = vector.broadcast %add3A_118 : i32 to vector<16xi32>
      %add3A_120 = arith.addi %gather3A, %add3A_119 : vector<16xi32>
      %mul3A_121 = arith.constant 16 : i32
      %mul3A_122 = vector.broadcast %mul3A_121 : i32 to vector<16xi32>
      %mul3A_123 = arith.muli %add3A_120, %mul3A_122 : vector<16xi32>
      %add3A_124 = arith.addi %mul3A_123, %iota3A : vector<16xi32>
      %shift_left3A = arith.constant 1 : i32
      %shift_left3A_125 = arith.shli %shift_left3A, %scan3A_110 : i32
      %broadcast_in_dim3A_126 = vector.broadcast %shift_left3A_125 : i32 to vector<16xi32>
      tpu.vector_store_idx %arg5[%add3A_124], %broadcast_in_dim3A_126 {add = true} : memref<65920xi32, #tpu.memory_space<vmem>>[vector<16xi32>], vector<16xi32>,
    }
    %scan3A_65 = arith.constant 32 : i32
    %scan3A_66 = arith.constant 0 : i32
    %scan3A_67 = arith.constant 0 : i32
    %scan3A_68 = arith.constant 32 : i32
    %scan3A_69 = arith.addi %scan3A_67, %scan3A_68 : i32
    %scan3A_70 = arith.constant 1 : i32
    scf.for %scan3A_110 = %scan3A_67 to %scan3A_69 step %scan3A_70  : i32 {
      %add3A_111 = arith.constant 1024 : i32
      %add3A_112 = arith.addi %add3A_111, %scan3A_110 : i32
      %mul3A_113 = arith.constant 32 : i32
      %mul3A_114 = vector.broadcast %mul3A_113 : i32 to vector<16xi32>
      %mul3A_115 = arith.muli %mul3A_114, %iota3A : vector<16xi32>
      %add3A_116 = vector.broadcast %add3A_112 : i32 to vector<16xi32>
      %add3A_117 = arith.addi %add3A_116, %mul3A_115 : vector<16xi32>
      %gather3A = tpu.vector_load_idx %arg6[%add3A_117] : memref<4096xi32, #tpu.memory_space<vmem>>[vector<16xi32>], vector<16xi32>,
      %add3A_118 = arith.constant 1030 : i32
      %add3A_119 = vector.broadcast %add3A_118 : i32 to vector<16xi32>
      %add3A_120 = arith.addi %gather3A, %add3A_119 : vector<16xi32>
      %mul3A_121 = arith.constant 16 : i32
      %mul3A_122 = vector.broadcast %mul3A_121 : i32 to vector<16xi32>
      %mul3A_123 = arith.muli %add3A_120, %mul3A_122 : vector<16xi32>
      %add3A_124 = arith.addi %mul3A_123, %iota3A : vector<16xi32>
      %shift_left3A = arith.constant 1 : i32
      %shift_left3A_125 = arith.shli %shift_left3A, %scan3A_110 : i32
      %broadcast_in_dim3A_126 = vector.broadcast %shift_left3A_125 : i32 to vector<16xi32>
      tpu.vector_store_idx %arg5[%add3A_124], %broadcast_in_dim3A_126 {add = true} : memref<65920xi32, #tpu.memory_space<vmem>>[vector<16xi32>], vector<16xi32>,
    }
    %scan3A_71 = arith.constant 32 : i32
    %scan3A_72 = arith.constant 0 : i32
    %scan3A_73 = arith.constant 0 : i32
    %scan3A_74 = arith.constant 32 : i32
    %scan3A_75 = arith.addi %scan3A_73, %scan3A_74 : i32
    %scan3A_76 = arith.constant 1 : i32
    scf.for %scan3A_110 = %scan3A_73 to %scan3A_75 step %scan3A_76  : i32 {
      %add3A_111 = arith.constant 1536 : i32
      %add3A_112 = arith.addi %add3A_111, %scan3A_110 : i32
      %mul3A_113 = arith.constant 32 : i32
      %mul3A_114 = vector.broadcast %mul3A_113 : i32 to vector<16xi32>
      %mul3A_115 = arith.muli %mul3A_114, %iota3A : vector<16xi32>
      %add3A_116 = vector.broadcast %add3A_112 : i32 to vector<16xi32>
      %add3A_117 = arith.addi %add3A_116, %mul3A_115 : vector<16xi32>
      %gather3A = tpu.vector_load_idx %arg6[%add3A_117] : memref<4096xi32, #tpu.memory_space<vmem>>[vector<16xi32>], vector<16xi32>,
      %add3A_118 = arith.constant 1545 : i32
      %add3A_119 = vector.broadcast %add3A_118 : i32 to vector<16xi32>
      %add3A_120 = arith.addi %gather3A, %add3A_119 : vector<16xi32>
      %mul3A_121 = arith.constant 16 : i32
      %mul3A_122 = vector.broadcast %mul3A_121 : i32 to vector<16xi32>
      %mul3A_123 = arith.muli %add3A_120, %mul3A_122 : vector<16xi32>
      %add3A_124 = arith.addi %mul3A_123, %iota3A : vector<16xi32>
      %shift_left3A = arith.constant 1 : i32
      %shift_left3A_125 = arith.shli %shift_left3A, %scan3A_110 : i32
      %broadcast_in_dim3A_126 = vector.broadcast %shift_left3A_125 : i32 to vector<16xi32>
      tpu.vector_store_idx %arg5[%add3A_124], %broadcast_in_dim3A_126 {add = true} : memref<65920xi32, #tpu.memory_space<vmem>>[vector<16xi32>], vector<16xi32>,
    }
    %scan3A_77 = arith.constant 32 : i32
    %scan3A_78 = arith.constant 0 : i32
    %scan3A_79 = arith.constant 0 : i32
    %scan3A_80 = arith.constant 32 : i32
    %scan3A_81 = arith.addi %scan3A_79, %scan3A_80 : i32
    %scan3A_82 = arith.constant 1 : i32
    scf.for %scan3A_110 = %scan3A_79 to %scan3A_81 step %scan3A_82  : i32 {
      %add3A_111 = arith.constant 2048 : i32
      %add3A_112 = arith.addi %add3A_111, %scan3A_110 : i32
      %mul3A_113 = arith.constant 32 : i32
      %mul3A_114 = vector.broadcast %mul3A_113 : i32 to vector<16xi32>
      %mul3A_115 = arith.muli %mul3A_114, %iota3A : vector<16xi32>
      %add3A_116 = vector.broadcast %add3A_112 : i32 to vector<16xi32>
      %add3A_117 = arith.addi %add3A_116, %mul3A_115 : vector<16xi32>
      %gather3A = tpu.vector_load_idx %arg6[%add3A_117] : memref<4096xi32, #tpu.memory_space<vmem>>[vector<16xi32>], vector<16xi32>,
      %add3A_118 = arith.constant 2060 : i32
      %add3A_119 = vector.broadcast %add3A_118 : i32 to vector<16xi32>
      %add3A_120 = arith.addi %gather3A, %add3A_119 : vector<16xi32>
      %mul3A_121 = arith.constant 16 : i32
      %mul3A_122 = vector.broadcast %mul3A_121 : i32 to vector<16xi32>
      %mul3A_123 = arith.muli %add3A_120, %mul3A_122 : vector<16xi32>
      %add3A_124 = arith.addi %mul3A_123, %iota3A : vector<16xi32>
      %shift_left3A = arith.constant 1 : i32
      %shift_left3A_125 = arith.shli %shift_left3A, %scan3A_110 : i32
      %broadcast_in_dim3A_126 = vector.broadcast %shift_left3A_125 : i32 to vector<16xi32>
      tpu.vector_store_idx %arg5[%add3A_124], %broadcast_in_dim3A_126 {add = true} : memref<65920xi32, #tpu.memory_space<vmem>>[vector<16xi32>], vector<16xi32>,
    }
    %scan3A_83 = arith.constant 32 : i32
    %scan3A_84 = arith.constant 0 : i32
    %scan3A_85 = arith.constant 0 : i32
    %scan3A_86 = arith.constant 32 : i32
    %scan3A_87 = arith.addi %scan3A_85, %scan3A_86 : i32
    %scan3A_88 = arith.constant 1 : i32
    scf.for %scan3A_110 = %scan3A_85 to %scan3A_87 step %scan3A_88  : i32 {
      %add3A_111 = arith.constant 2560 : i32
      %add3A_112 = arith.addi %add3A_111, %scan3A_110 : i32
      %mul3A_113 = arith.constant 32 : i32
      %mul3A_114 = vector.broadcast %mul3A_113 : i32 to vector<16xi32>
      %mul3A_115 = arith.muli %mul3A_114, %iota3A : vector<16xi32>
      %add3A_116 = vector.broadcast %add3A_112 : i32 to vector<16xi32>
      %add3A_117 = arith.addi %add3A_116, %mul3A_115 : vector<16xi32>
      %gather3A = tpu.vector_load_idx %arg6[%add3A_117] : memref<4096xi32, #tpu.memory_space<vmem>>[vector<16xi32>], vector<16xi32>,
      %add3A_118 = arith.constant 2575 : i32
      %add3A_119 = vector.broadcast %add3A_118 : i32 to vector<16xi32>
      %add3A_120 = arith.addi %gather3A, %add3A_119 : vector<16xi32>
      %mul3A_121 = arith.constant 16 : i32
      %mul3A_122 = vector.broadcast %mul3A_121 : i32 to vector<16xi32>
      %mul3A_123 = arith.muli %add3A_120, %mul3A_122 : vector<16xi32>
      %add3A_124 = arith.addi %mul3A_123, %iota3A : vector<16xi32>
      %shift_left3A = arith.constant 1 : i32
      %shift_left3A_125 = arith.shli %shift_left3A, %scan3A_110 : i32
      %broadcast_in_dim3A_126 = vector.broadcast %shift_left3A_125 : i32 to vector<16xi32>
      tpu.vector_store_idx %arg5[%add3A_124], %broadcast_in_dim3A_126 {add = true} : memref<65920xi32, #tpu.memory_space<vmem>>[vector<16xi32>], vector<16xi32>,
    }
    %scan3A_89 = arith.constant 32 : i32
    %scan3A_90 = arith.constant 0 : i32
    %scan3A_91 = arith.constant 0 : i32
    %scan3A_92 = arith.constant 32 : i32
    %scan3A_93 = arith.addi %scan3A_91, %scan3A_92 : i32
    %scan3A_94 = arith.constant 1 : i32
    scf.for %scan3A_110 = %scan3A_91 to %scan3A_93 step %scan3A_94  : i32 {
      %add3A_111 = arith.constant 3072 : i32
      %add3A_112 = arith.addi %add3A_111, %scan3A_110 : i32
      %mul3A_113 = arith.constant 32 : i32
      %mul3A_114 = vector.broadcast %mul3A_113 : i32 to vector<16xi32>
      %mul3A_115 = arith.muli %mul3A_114, %iota3A : vector<16xi32>
      %add3A_116 = vector.broadcast %add3A_112 : i32 to vector<16xi32>
      %add3A_117 = arith.addi %add3A_116, %mul3A_115 : vector<16xi32>
      %gather3A = tpu.vector_load_idx %arg6[%add3A_117] : memref<4096xi32, #tpu.memory_space<vmem>>[vector<16xi32>], vector<16xi32>,
      %add3A_118 = arith.constant 3090 : i32
      %add3A_119 = vector.broadcast %add3A_118 : i32 to vector<16xi32>
      %add3A_120 = arith.addi %gather3A, %add3A_119 : vector<16xi32>
      %mul3A_121 = arith.constant 16 : i32
      %mul3A_122 = vector.broadcast %mul3A_121 : i32 to vector<16xi32>
      %mul3A_123 = arith.muli %add3A_120, %mul3A_122 : vector<16xi32>
      %add3A_124 = arith.addi %mul3A_123, %iota3A : vector<16xi32>
      %shift_left3A = arith.constant 1 : i32
      %shift_left3A_125 = arith.shli %shift_left3A, %scan3A_110 : i32
      %broadcast_in_dim3A_126 = vector.broadcast %shift_left3A_125 : i32 to vector<16xi32>
      tpu.vector_store_idx %arg5[%add3A_124], %broadcast_in_dim3A_126 {add = true} : memref<65920xi32, #tpu.memory_space<vmem>>[vector<16xi32>], vector<16xi32>,
    }
    %scan3A_95 = arith.constant 32 : i32
    %scan3A_96 = arith.constant 0 : i32
    %scan3A_97 = arith.constant 0 : i32
    %scan3A_98 = arith.constant 32 : i32
    %scan3A_99 = arith.addi %scan3A_97, %scan3A_98 : i32
    %scan3A_100 = arith.constant 1 : i32
    scf.for %scan3A_110 = %scan3A_97 to %scan3A_99 step %scan3A_100  : i32 {
      %add3A_111 = arith.constant 3584 : i32
      %add3A_112 = arith.addi %add3A_111, %scan3A_110 : i32
      %mul3A_113 = arith.constant 32 : i32
      %mul3A_114 = vector.broadcast %mul3A_113 : i32 to vector<16xi32>
      %mul3A_115 = arith.muli %mul3A_114, %iota3A : vector<16xi32>
      %add3A_116 = vector.broadcast %add3A_112 : i32 to vector<16xi32>
      %add3A_117 = arith.addi %add3A_116, %mul3A_115 : vector<16xi32>
      %gather3A = tpu.vector_load_idx %arg6[%add3A_117] : memref<4096xi32, #tpu.memory_space<vmem>>[vector<16xi32>], vector<16xi32>,
      %add3A_118 = arith.constant 3605 : i32
      %add3A_119 = vector.broadcast %add3A_118 : i32 to vector<16xi32>
      %add3A_120 = arith.addi %gather3A, %add3A_119 : vector<16xi32>
      %mul3A_121 = arith.constant 16 : i32
      %mul3A_122 = vector.broadcast %mul3A_121 : i32 to vector<16xi32>
      %mul3A_123 = arith.muli %add3A_120, %mul3A_122 : vector<16xi32>
      %add3A_124 = arith.addi %mul3A_123, %iota3A : vector<16xi32>
      %shift_left3A = arith.constant 1 : i32
      %shift_left3A_125 = arith.shli %shift_left3A, %scan3A_110 : i32
      %broadcast_in_dim3A_126 = vector.broadcast %shift_left3A_125 : i32 to vector<16xi32>
      tpu.vector_store_idx %arg5[%add3A_124], %broadcast_in_dim3A_126 {add = true} : memref<65920xi32, #tpu.memory_space<vmem>>[vector<16xi32>], vector<16xi32>,
    }
    %scan3A_101 = arith.constant 32 : i32
    %scan3A_102 = arith.constant 0 : i32
    %scan3A_103 = arith.constant 0 : i32
    %scan3A_104 = arith.constant 192 : i32
    %scan3A_105 = arith.addi %scan3A_103, %scan3A_104 : i32
    %scan3A_106 = arith.constant 1 : i32
    scf.for %scan3A_110 = %scan3A_103 to %scan3A_105 step %scan3A_106  : i32 {
      %mul3A_111 = arith.constant 4 : i32
      %mul3A_112 = arith.muli %scan3A_110, %mul3A_111 : i32
      %add3A_113 = arith.constant 0 : i32
      %add3A_114 = arith.addi %mul3A_112, %add3A_113 : i32
      %broadcast_in_dim3A_115 = vector.broadcast %add3A_114 : i32 to vector<16xi32>
      %add3A_116 = arith.constant 0 : i32
      %add3A_117 = vector.broadcast %add3A_116 : i32 to vector<16xi32>
      %add3A_118 = arith.addi %add3A_117, %broadcast_in_dim3A_115 : vector<16xi32>
      %gather3A = tpu.vector_load_idx %arg7[%add3A_118] : memref<6144xi32, #tpu.memory_space<vmem>>[vector<16xi32>], vector<16xi32>,
      %add3A_119 = arith.constant 0 : i32
      %add3A_120 = vector.broadcast %add3A_119 : i32 to vector<16xi32>
      %add3A_121 = arith.addi %gather3A, %add3A_120 : vector<16xi32>
      %mul3A_122 = arith.constant 16 : i32
      %mul3A_123 = vector.broadcast %mul3A_122 : i32 to vector<16xi32>
      %mul3A_124 = arith.muli %add3A_121, %mul3A_123 : vector<16xi32>
      %add3A_125 = arith.addi %mul3A_124, %iota3A : vector<16xi32>
      %gather3A_126 = tpu.vector_load_idx %arg5[%add3A_125] : memref<65920xi32, #tpu.memory_space<vmem>>[vector<16xi32>], vector<16xi32>,
      %add3A_127 = arith.constant 768 : i32
      %add3A_128 = vector.broadcast %add3A_127 : i32 to vector<16xi32>
      %add3A_129 = arith.addi %add3A_128, %broadcast_in_dim3A_115 : vector<16xi32>
      %gather3A_130 = tpu.vector_load_idx %arg7[%add3A_129] : memref<6144xi32, #tpu.memory_space<vmem>>[vector<16xi32>], vector<16xi32>,
      %add3A_131 = arith.constant 515 : i32
      %add3A_132 = vector.broadcast %add3A_131 : i32 to vector<16xi32>
      %add3A_133 = arith.addi %gather3A_130, %add3A_132 : vector<16xi32>
      %mul3A_134 = arith.constant 16 : i32
      %mul3A_135 = vector.broadcast %mul3A_134 : i32 to vector<16xi32>
      %mul3A_136 = arith.muli %add3A_133, %mul3A_135 : vector<16xi32>
      %add3A_137 = arith.addi %mul3A_136, %iota3A : vector<16xi32>
      %gather3A_138 = tpu.vector_load_idx %arg5[%add3A_137] : memref<65920xi32, #tpu.memory_space<vmem>>[vector<16xi32>], vector<16xi32>,
      %and3A_139 = arith.andi %gather3A_126, %gather3A_138 : vector<16xi32>
      %add3A_140 = arith.constant 1536 : i32
      %add3A_141 = vector.broadcast %add3A_140 : i32 to vector<16xi32>
      %add3A_142 = arith.addi %add3A_141, %broadcast_in_dim3A_115 : vector<16xi32>
      %gather3A_143 = tpu.vector_load_idx %arg7[%add3A_142] : memref<6144xi32, #tpu.memory_space<vmem>>[vector<16xi32>], vector<16xi32>,
      %add3A_144 = arith.constant 1030 : i32
      %add3A_145 = vector.broadcast %add3A_144 : i32 to vector<16xi32>
      %add3A_146 = arith.addi %gather3A_143, %add3A_145 : vector<16xi32>
      %mul3A_147 = arith.constant 16 : i32
      %mul3A_148 = vector.broadcast %mul3A_147 : i32 to vector<16xi32>
      %mul3A_149 = arith.muli %add3A_146, %mul3A_148 : vector<16xi32>
      %add3A_150 = arith.addi %mul3A_149, %iota3A : vector<16xi32>
      %gather3A_151 = tpu.vector_load_idx %arg5[%add3A_150] : memref<65920xi32, #tpu.memory_space<vmem>>[vector<16xi32>], vector<16xi32>,
      %and3A_152 = arith.andi %and3A_139, %gather3A_151 : vector<16xi32>
      %add3A_153 = arith.constant 2304 : i32
      %add3A_154 = vector.broadcast %add3A_153 : i32 to vector<16xi32>
      %add3A_155 = arith.addi %add3A_154, %broadcast_in_dim3A_115 : vector<16xi32>
      %gather3A_156 = tpu.vector_load_idx %arg7[%add3A_155] : memref<6144xi32, #tpu.memory_space<vmem>>[vector<16xi32>], vector<16xi32>,
      %add3A_157 = arith.constant 1545 : i32
      %add3A_158 = vector.broadcast %add3A_157 : i32 to vector<16xi32>
      %add3A_159 = arith.addi %gather3A_156, %add3A_158 : vector<16xi32>
      %mul3A_160 = arith.constant 16 : i32
      %mul3A_161 = vector.broadcast %mul3A_160 : i32 to vector<16xi32>
      %mul3A_162 = arith.muli %add3A_159, %mul3A_161 : vector<16xi32>
      %add3A_163 = arith.addi %mul3A_162, %iota3A : vector<16xi32>
      %gather3A_164 = tpu.vector_load_idx %arg5[%add3A_163] : memref<65920xi32, #tpu.memory_space<vmem>>[vector<16xi32>], vector<16xi32>,
      %and3A_165 = arith.andi %and3A_152, %gather3A_164 : vector<16xi32>
      %add3A_166 = arith.constant 3072 : i32
      %add3A_167 = vector.broadcast %add3A_166 : i32 to vector<16xi32>
      %add3A_168 = arith.addi %add3A_167, %broadcast_in_dim3A_115 : vector<16xi32>
      %gather3A_169 = tpu.vector_load_idx %arg7[%add3A_168] : memref<6144xi32, #tpu.memory_space<vmem>>[vector<16xi32>], vector<16xi32>,
      %add3A_170 = arith.constant 2060 : i32
      %add3A_171 = vector.broadcast %add3A_170 : i32 to vector<16xi32>
      %add3A_172 = arith.addi %gather3A_169, %add3A_171 : vector<16xi32>
      %mul3A_173 = arith.constant 16 : i32
      %mul3A_174 = vector.broadcast %mul3A_173 : i32 to vector<16xi32>
      %mul3A_175 = arith.muli %add3A_172, %mul3A_174 : vector<16xi32>
      %add3A_176 = arith.addi %mul3A_175, %iota3A : vector<16xi32>
      %gather3A_177 = tpu.vector_load_idx %arg5[%add3A_176] : memref<65920xi32, #tpu.memory_space<vmem>>[vector<16xi32>], vector<16xi32>,
      %and3A_178 = arith.andi %and3A_165, %gather3A_177 : vector<16xi32>
      %add3A_179 = arith.constant 3840 : i32
      %add3A_180 = vector.broadcast %add3A_179 : i32 to vector<16xi32>
      %add3A_181 = arith.addi %add3A_180, %broadcast_in_dim3A_115 : vector<16xi32>
      %gather3A_182 = tpu.vector_load_idx %arg7[%add3A_181] : memref<6144xi32, #tpu.memory_space<vmem>>[vector<16xi32>], vector<16xi32>,
      %add3A_183 = arith.constant 2575 : i32
      %add3A_184 = vector.broadcast %add3A_183 : i32 to vector<16xi32>
      %add3A_185 = arith.addi %gather3A_182, %add3A_184 : vector<16xi32>
      %mul3A_186 = arith.constant 16 : i32
      %mul3A_187 = vector.broadcast %mul3A_186 : i32 to vector<16xi32>
      %mul3A_188 = arith.muli %add3A_185, %mul3A_187 : vector<16xi32>
      %add3A_189 = arith.addi %mul3A_188, %iota3A : vector<16xi32>
      %gather3A_190 = tpu.vector_load_idx %arg5[%add3A_189] : memref<65920xi32, #tpu.memory_space<vmem>>[vector<16xi32>], vector<16xi32>,
      %and3A_191 = arith.andi %and3A_178, %gather3A_190 : vector<16xi32>
      %add3A_192 = arith.constant 4608 : i32
      %add3A_193 = vector.broadcast %add3A_192 : i32 to vector<16xi32>
      %add3A_194 = arith.addi %add3A_193, %broadcast_in_dim3A_115 : vector<16xi32>
      %gather3A_195 = tpu.vector_load_idx %arg7[%add3A_194] : memref<6144xi32, #tpu.memory_space<vmem>>[vector<16xi32>], vector<16xi32>,
      %add3A_196 = arith.constant 3090 : i32
      %add3A_197 = vector.broadcast %add3A_196 : i32 to vector<16xi32>
      %add3A_198 = arith.addi %gather3A_195, %add3A_197 : vector<16xi32>
      %mul3A_199 = arith.constant 16 : i32
      %mul3A_200 = vector.broadcast %mul3A_199 : i32 to vector<16xi32>
      %mul3A_201 = arith.muli %add3A_198, %mul3A_200 : vector<16xi32>
      %add3A_202 = arith.addi %mul3A_201, %iota3A : vector<16xi32>
      %gather3A_203 = tpu.vector_load_idx %arg5[%add3A_202] : memref<65920xi32, #tpu.memory_space<vmem>>[vector<16xi32>], vector<16xi32>,
      %and3A_204 = arith.andi %and3A_191, %gather3A_203 : vector<16xi32>
      %add3A_205 = arith.constant 5376 : i32
      %add3A_206 = vector.broadcast %add3A_205 : i32 to vector<16xi32>
      %add3A_207 = arith.addi %add3A_206, %broadcast_in_dim3A_115 : vector<16xi32>
      %gather3A_208 = tpu.vector_load_idx %arg7[%add3A_207] : memref<6144xi32, #tpu.memory_space<vmem>>[vector<16xi32>], vector<16xi32>,
      %add3A_209 = arith.constant 3605 : i32
      %add3A_210 = vector.broadcast %add3A_209 : i32 to vector<16xi32>
      %add3A_211 = arith.addi %gather3A_208, %add3A_210 : vector<16xi32>
      %mul3A_212 = arith.constant 16 : i32
      %mul3A_213 = vector.broadcast %mul3A_212 : i32 to vector<16xi32>
      %mul3A_214 = arith.muli %add3A_211, %mul3A_213 : vector<16xi32>
      %add3A_215 = arith.addi %mul3A_214, %iota3A : vector<16xi32>
      %gather3A_216 = tpu.vector_load_idx %arg5[%add3A_215] : memref<65920xi32, #tpu.memory_space<vmem>>[vector<16xi32>], vector<16xi32>,
      %and3A_217 = arith.andi %and3A_204, %gather3A_216 : vector<16xi32>
      tpu.vector_store_idx %arg8[%iota3A, %broadcast_in_dim3A_115], %and3A_217 : memref<16x768xi32, #tpu.memory_space<vmem>>[vector<16xi32>, vector<16xi32>], vector<16xi32>,
      %mul3A_218 = arith.constant 4 : i32
      %mul3A_219 = arith.muli %scan3A_110, %mul3A_218 : i32
      %add3A_220 = arith.constant 1 : i32
      %add3A_221 = arith.addi %mul3A_219, %add3A_220 : i32
      %broadcast_in_dim3A_222 = vector.broadcast %add3A_221 : i32 to vector<16xi32>
      %add3A_223 = arith.constant 0 : i32
      %add3A_224 = vector.broadcast %add3A_223 : i32 to vector<16xi32>
      %add3A_225 = arith.addi %add3A_224, %broadcast_in_dim3A_222 : vector<16xi32>
      %gather3A_226 = tpu.vector_load_idx %arg7[%add3A_225] : memref<6144xi32, #tpu.memory_space<vmem>>[vector<16xi32>], vector<16xi32>,
      %add3A_227 = arith.constant 0 : i32
      %add3A_228 = vector.broadcast %add3A_227 : i32 to vector<16xi32>
      %add3A_229 = arith.addi %gather3A_226, %add3A_228 : vector<16xi32>
      %mul3A_230 = arith.constant 16 : i32
      %mul3A_231 = vector.broadcast %mul3A_230 : i32 to vector<16xi32>
      %mul3A_232 = arith.muli %add3A_229, %mul3A_231 : vector<16xi32>
      %add3A_233 = arith.addi %mul3A_232, %iota3A : vector<16xi32>
      %gather3A_234 = tpu.vector_load_idx %arg5[%add3A_233] : memref<65920xi32, #tpu.memory_space<vmem>>[vector<16xi32>], vector<16xi32>,
      %add3A_235 = arith.constant 768 : i32
      %add3A_236 = vector.broadcast %add3A_235 : i32 to vector<16xi32>
      %add3A_237 = arith.addi %add3A_236, %broadcast_in_dim3A_222 : vector<16xi32>
      %gather3A_238 = tpu.vector_load_idx %arg7[%add3A_237] : memref<6144xi32, #tpu.memory_space<vmem>>[vector<16xi32>], vector<16xi32>,
      %add3A_239 = arith.constant 515 : i32
      %add3A_240 = vector.broadcast %add3A_239 : i32 to vector<16xi32>
      %add3A_241 = arith.addi %gather3A_238, %add3A_240 : vector<16xi32>
      %mul3A_242 = arith.constant 16 : i32
      %mul3A_243 = vector.broadcast %mul3A_242 : i32 to vector<16xi32>
      %mul3A_244 = arith.muli %add3A_241, %mul3A_243 : vector<16xi32>
      %add3A_245 = arith.addi %mul3A_244, %iota3A : vector<16xi32>
      %gather3A_246 = tpu.vector_load_idx %arg5[%add3A_245] : memref<65920xi32, #tpu.memory_space<vmem>>[vector<16xi32>], vector<16xi32>,
      %and3A_247 = arith.andi %gather3A_234, %gather3A_246 : vector<16xi32>
      %add3A_248 = arith.constant 1536 : i32
      %add3A_249 = vector.broadcast %add3A_248 : i32 to vector<16xi32>
      %add3A_250 = arith.addi %add3A_249, %broadcast_in_dim3A_222 : vector<16xi32>
      %gather3A_251 = tpu.vector_load_idx %arg7[%add3A_250] : memref<6144xi32, #tpu.memory_space<vmem>>[vector<16xi32>], vector<16xi32>,
      %add3A_252 = arith.constant 1030 : i32
      %add3A_253 = vector.broadcast %add3A_252 : i32 to vector<16xi32>
      %add3A_254 = arith.addi %gather3A_251, %add3A_253 : vector<16xi32>
      %mul3A_255 = arith.constant 16 : i32
      %mul3A_256 = vector.broadcast %mul3A_255 : i32 to vector<16xi32>
      %mul3A_257 = arith.muli %add3A_254, %mul3A_256 : vector<16xi32>
      %add3A_258 = arith.addi %mul3A_257, %iota3A : vector<16xi32>
      %gather3A_259 = tpu.vector_load_idx %arg5[%add3A_258] : memref<65920xi32, #tpu.memory_space<vmem>>[vector<16xi32>], vector<16xi32>,
      %and3A_260 = arith.andi %and3A_247, %gather3A_259 : vector<16xi32>
      %add3A_261 = arith.constant 2304 : i32
      %add3A_262 = vector.broadcast %add3A_261 : i32 to vector<16xi32>
      %add3A_263 = arith.addi %add3A_262, %broadcast_in_dim3A_222 : vector<16xi32>
      %gather3A_264 = tpu.vector_load_idx %arg7[%add3A_263] : memref<6144xi32, #tpu.memory_space<vmem>>[vector<16xi32>], vector<16xi32>,
      %add3A_265 = arith.constant 1545 : i32
      %add3A_266 = vector.broadcast %add3A_265 : i32 to vector<16xi32>
      %add3A_267 = arith.addi %gather3A_264, %add3A_266 : vector<16xi32>
      %mul3A_268 = arith.constant 16 : i32
      %mul3A_269 = vector.broadcast %mul3A_268 : i32 to vector<16xi32>
      %mul3A_270 = arith.muli %add3A_267, %mul3A_269 : vector<16xi32>
      %add3A_271 = arith.addi %mul3A_270, %iota3A : vector<16xi32>
      %gather3A_272 = tpu.vector_load_idx %arg5[%add3A_271] : memref<65920xi32, #tpu.memory_space<vmem>>[vector<16xi32>], vector<16xi32>,
      %and3A_273 = arith.andi %and3A_260, %gather3A_272 : vector<16xi32>
      %add3A_274 = arith.constant 3072 : i32
      %add3A_275 = vector.broadcast %add3A_274 : i32 to vector<16xi32>
      %add3A_276 = arith.addi %add3A_275, %broadcast_in_dim3A_222 : vector<16xi32>
      %gather3A_277 = tpu.vector_load_idx %arg7[%add3A_276] : memref<6144xi32, #tpu.memory_space<vmem>>[vector<16xi32>], vector<16xi32>,
      %add3A_278 = arith.constant 2060 : i32
      %add3A_279 = vector.broadcast %add3A_278 : i32 to vector<16xi32>
      %add3A_280 = arith.addi %gather3A_277, %add3A_279 : vector<16xi32>
      %mul3A_281 = arith.constant 16 : i32
      %mul3A_282 = vector.broadcast %mul3A_281 : i32 to vector<16xi32>
      %mul3A_283 = arith.muli %add3A_280, %mul3A_282 : vector<16xi32>
      %add3A_284 = arith.addi %mul3A_283, %iota3A : vector<16xi32>
      %gather3A_285 = tpu.vector_load_idx %arg5[%add3A_284] : memref<65920xi32, #tpu.memory_space<vmem>>[vector<16xi32>], vector<16xi32>,
      %and3A_286 = arith.andi %and3A_273, %gather3A_285 : vector<16xi32>
      %add3A_287 = arith.constant 3840 : i32
      %add3A_288 = vector.broadcast %add3A_287 : i32 to vector<16xi32>
      %add3A_289 = arith.addi %add3A_288, %broadcast_in_dim3A_222 : vector<16xi32>
      %gather3A_290 = tpu.vector_load_idx %arg7[%add3A_289] : memref<6144xi32, #tpu.memory_space<vmem>>[vector<16xi32>], vector<16xi32>,
      %add3A_291 = arith.constant 2575 : i32
      %add3A_292 = vector.broadcast %add3A_291 : i32 to vector<16xi32>
      %add3A_293 = arith.addi %gather3A_290, %add3A_292 : vector<16xi32>
      %mul3A_294 = arith.constant 16 : i32
      %mul3A_295 = vector.broadcast %mul3A_294 : i32 to vector<16xi32>
      %mul3A_296 = arith.muli %add3A_293, %mul3A_295 : vector<16xi32>
      %add3A_297 = arith.addi %mul3A_296, %iota3A : vector<16xi32>
      %gather3A_298 = tpu.vector_load_idx %arg5[%add3A_297] : memref<65920xi32, #tpu.memory_space<vmem>>[vector<16xi32>], vector<16xi32>,
      %and3A_299 = arith.andi %and3A_286, %gather3A_298 : vector<16xi32>
      %add3A_300 = arith.constant 4608 : i32
      %add3A_301 = vector.broadcast %add3A_300 : i32 to vector<16xi32>
      %add3A_302 = arith.addi %add3A_301, %broadcast_in_dim3A_222 : vector<16xi32>
      %gather3A_303 = tpu.vector_load_idx %arg7[%add3A_302] : memref<6144xi32, #tpu.memory_space<vmem>>[vector<16xi32>], vector<16xi32>,
      %add3A_304 = arith.constant 3090 : i32
      %add3A_305 = vector.broadcast %add3A_304 : i32 to vector<16xi32>
      %add3A_306 = arith.addi %gather3A_303, %add3A_305 : vector<16xi32>
      %mul3A_307 = arith.constant 16 : i32
      %mul3A_308 = vector.broadcast %mul3A_307 : i32 to vector<16xi32>
      %mul3A_309 = arith.muli %add3A_306, %mul3A_308 : vector<16xi32>
      %add3A_310 = arith.addi %mul3A_309, %iota3A : vector<16xi32>
      %gather3A_311 = tpu.vector_load_idx %arg5[%add3A_310] : memref<65920xi32, #tpu.memory_space<vmem>>[vector<16xi32>], vector<16xi32>,
      %and3A_312 = arith.andi %and3A_299, %gather3A_311 : vector<16xi32>
      %add3A_313 = arith.constant 5376 : i32
      %add3A_314 = vector.broadcast %add3A_313 : i32 to vector<16xi32>
      %add3A_315 = arith.addi %add3A_314, %broadcast_in_dim3A_222 : vector<16xi32>
      %gather3A_316 = tpu.vector_load_idx %arg7[%add3A_315] : memref<6144xi32, #tpu.memory_space<vmem>>[vector<16xi32>], vector<16xi32>,
      %add3A_317 = arith.constant 3605 : i32
      %add3A_318 = vector.broadcast %add3A_317 : i32 to vector<16xi32>
      %add3A_319 = arith.addi %gather3A_316, %add3A_318 : vector<16xi32>
      %mul3A_320 = arith.constant 16 : i32
      %mul3A_321 = vector.broadcast %mul3A_320 : i32 to vector<16xi32>
      %mul3A_322 = arith.muli %add3A_319, %mul3A_321 : vector<16xi32>
      %add3A_323 = arith.addi %mul3A_322, %iota3A : vector<16xi32>
      %gather3A_324 = tpu.vector_load_idx %arg5[%add3A_323] : memref<65920xi32, #tpu.memory_space<vmem>>[vector<16xi32>], vector<16xi32>,
      %and3A_325 = arith.andi %and3A_312, %gather3A_324 : vector<16xi32>
      tpu.vector_store_idx %arg8[%iota3A, %broadcast_in_dim3A_222], %and3A_325 : memref<16x768xi32, #tpu.memory_space<vmem>>[vector<16xi32>, vector<16xi32>], vector<16xi32>,
      %mul3A_326 = arith.constant 4 : i32
      %mul3A_327 = arith.muli %scan3A_110, %mul3A_326 : i32
      %add3A_328 = arith.constant 2 : i32
      %add3A_329 = arith.addi %mul3A_327, %add3A_328 : i32
      %broadcast_in_dim3A_330 = vector.broadcast %add3A_329 : i32 to vector<16xi32>
      %add3A_331 = arith.constant 0 : i32
      %add3A_332 = vector.broadcast %add3A_331 : i32 to vector<16xi32>
      %add3A_333 = arith.addi %add3A_332, %broadcast_in_dim3A_330 : vector<16xi32>
      %gather3A_334 = tpu.vector_load_idx %arg7[%add3A_333] : memref<6144xi32, #tpu.memory_space<vmem>>[vector<16xi32>], vector<16xi32>,
      %add3A_335 = arith.constant 0 : i32
      %add3A_336 = vector.broadcast %add3A_335 : i32 to vector<16xi32>
      %add3A_337 = arith.addi %gather3A_334, %add3A_336 : vector<16xi32>
      %mul3A_338 = arith.constant 16 : i32
      %mul3A_339 = vector.broadcast %mul3A_338 : i32 to vector<16xi32>
      %mul3A_340 = arith.muli %add3A_337, %mul3A_339 : vector<16xi32>
      %add3A_341 = arith.addi %mul3A_340, %iota3A : vector<16xi32>
      %gather3A_342 = tpu.vector_load_idx %arg5[%add3A_341] : memref<65920xi32, #tpu.memory_space<vmem>>[vector<16xi32>], vector<16xi32>,
      %add3A_343 = arith.constant 768 : i32
      %add3A_344 = vector.broadcast %add3A_343 : i32 to vector<16xi32>
      %add3A_345 = arith.addi %add3A_344, %broadcast_in_dim3A_330 : vector<16xi32>
      %gather3A_346 = tpu.vector_load_idx %arg7[%add3A_345] : memref<6144xi32, #tpu.memory_space<vmem>>[vector<16xi32>], vector<16xi32>,
      %add3A_347 = arith.constant 515 : i32
      %add3A_348 = vector.broadcast %add3A_347 : i32 to vector<16xi32>
      %add3A_349 = arith.addi %gather3A_346, %add3A_348 : vector<16xi32>
      %mul3A_350 = arith.constant 16 : i32
      %mul3A_351 = vector.broadcast %mul3A_350 : i32 to vector<16xi32>
      %mul3A_352 = arith.muli %add3A_349, %mul3A_351 : vector<16xi32>
      %add3A_353 = arith.addi %mul3A_352, %iota3A : vector<16xi32>
      %gather3A_354 = tpu.vector_load_idx %arg5[%add3A_353] : memref<65920xi32, #tpu.memory_space<vmem>>[vector<16xi32>], vector<16xi32>,
      %and3A_355 = arith.andi %gather3A_342, %gather3A_354 : vector<16xi32>
      %add3A_356 = arith.constant 1536 : i32
      %add3A_357 = vector.broadcast %add3A_356 : i32 to vector<16xi32>
      %add3A_358 = arith.addi %add3A_357, %broadcast_in_dim3A_330 : vector<16xi32>
      %gather3A_359 = tpu.vector_load_idx %arg7[%add3A_358] : memref<6144xi32, #tpu.memory_space<vmem>>[vector<16xi32>], vector<16xi32>,
      %add3A_360 = arith.constant 1030 : i32
      %add3A_361 = vector.broadcast %add3A_360 : i32 to vector<16xi32>
      %add3A_362 = arith.addi %gather3A_359, %add3A_361 : vector<16xi32>
      %mul3A_363 = arith.constant 16 : i32
      %mul3A_364 = vector.broadcast %mul3A_363 : i32 to vector<16xi32>
      %mul3A_365 = arith.muli %add3A_362, %mul3A_364 : vector<16xi32>
      %add3A_366 = arith.addi %mul3A_365, %iota3A : vector<16xi32>
      %gather3A_367 = tpu.vector_load_idx %arg5[%add3A_366] : memref<65920xi32, #tpu.memory_space<vmem>>[vector<16xi32>], vector<16xi32>,
      %and3A_368 = arith.andi %and3A_355, %gather3A_367 : vector<16xi32>
      %add3A_369 = arith.constant 2304 : i32
      %add3A_370 = vector.broadcast %add3A_369 : i32 to vector<16xi32>
      %add3A_371 = arith.addi %add3A_370, %broadcast_in_dim3A_330 : vector<16xi32>
      %gather3A_372 = tpu.vector_load_idx %arg7[%add3A_371] : memref<6144xi32, #tpu.memory_space<vmem>>[vector<16xi32>], vector<16xi32>,
      %add3A_373 = arith.constant 1545 : i32
      %add3A_374 = vector.broadcast %add3A_373 : i32 to vector<16xi32>
      %add3A_375 = arith.addi %gather3A_372, %add3A_374 : vector<16xi32>
      %mul3A_376 = arith.constant 16 : i32
      %mul3A_377 = vector.broadcast %mul3A_376 : i32 to vector<16xi32>
      %mul3A_378 = arith.muli %add3A_375, %mul3A_377 : vector<16xi32>
      %add3A_379 = arith.addi %mul3A_378, %iota3A : vector<16xi32>
      %gather3A_380 = tpu.vector_load_idx %arg5[%add3A_379] : memref<65920xi32, #tpu.memory_space<vmem>>[vector<16xi32>], vector<16xi32>,
      %and3A_381 = arith.andi %and3A_368, %gather3A_380 : vector<16xi32>
      %add3A_382 = arith.constant 3072 : i32
      %add3A_383 = vector.broadcast %add3A_382 : i32 to vector<16xi32>
      %add3A_384 = arith.addi %add3A_383, %broadcast_in_dim3A_330 : vector<16xi32>
      %gather3A_385 = tpu.vector_load_idx %arg7[%add3A_384] : memref<6144xi32, #tpu.memory_space<vmem>>[vector<16xi32>], vector<16xi32>,
      %add3A_386 = arith.constant 2060 : i32
      %add3A_387 = vector.broadcast %add3A_386 : i32 to vector<16xi32>
      %add3A_388 = arith.addi %gather3A_385, %add3A_387 : vector<16xi32>
      %mul3A_389 = arith.constant 16 : i32
      %mul3A_390 = vector.broadcast %mul3A_389 : i32 to vector<16xi32>
      %mul3A_391 = arith.muli %add3A_388, %mul3A_390 : vector<16xi32>
      %add3A_392 = arith.addi %mul3A_391, %iota3A : vector<16xi32>
      %gather3A_393 = tpu.vector_load_idx %arg5[%add3A_392] : memref<65920xi32, #tpu.memory_space<vmem>>[vector<16xi32>], vector<16xi32>,
      %and3A_394 = arith.andi %and3A_381, %gather3A_393 : vector<16xi32>
      %add3A_395 = arith.constant 3840 : i32
      %add3A_396 = vector.broadcast %add3A_395 : i32 to vector<16xi32>
      %add3A_397 = arith.addi %add3A_396, %broadcast_in_dim3A_330 : vector<16xi32>
      %gather3A_398 = tpu.vector_load_idx %arg7[%add3A_397] : memref<6144xi32, #tpu.memory_space<vmem>>[vector<16xi32>], vector<16xi32>,
      %add3A_399 = arith.constant 2575 : i32
      %add3A_400 = vector.broadcast %add3A_399 : i32 to vector<16xi32>
      %add3A_401 = arith.addi %gather3A_398, %add3A_400 : vector<16xi32>
      %mul3A_402 = arith.constant 16 : i32
      %mul3A_403 = vector.broadcast %mul3A_402 : i32 to vector<16xi32>
      %mul3A_404 = arith.muli %add3A_401, %mul3A_403 : vector<16xi32>
      %add3A_405 = arith.addi %mul3A_404, %iota3A : vector<16xi32>
      %gather3A_406 = tpu.vector_load_idx %arg5[%add3A_405] : memref<65920xi32, #tpu.memory_space<vmem>>[vector<16xi32>], vector<16xi32>,
      %and3A_407 = arith.andi %and3A_394, %gather3A_406 : vector<16xi32>
      %add3A_408 = arith.constant 4608 : i32
      %add3A_409 = vector.broadcast %add3A_408 : i32 to vector<16xi32>
      %add3A_410 = arith.addi %add3A_409, %broadcast_in_dim3A_330 : vector<16xi32>
      %gather3A_411 = tpu.vector_load_idx %arg7[%add3A_410] : memref<6144xi32, #tpu.memory_space<vmem>>[vector<16xi32>], vector<16xi32>,
      %add3A_412 = arith.constant 3090 : i32
      %add3A_413 = vector.broadcast %add3A_412 : i32 to vector<16xi32>
      %add3A_414 = arith.addi %gather3A_411, %add3A_413 : vector<16xi32>
      %mul3A_415 = arith.constant 16 : i32
      %mul3A_416 = vector.broadcast %mul3A_415 : i32 to vector<16xi32>
      %mul3A_417 = arith.muli %add3A_414, %mul3A_416 : vector<16xi32>
      %add3A_418 = arith.addi %mul3A_417, %iota3A : vector<16xi32>
      %gather3A_419 = tpu.vector_load_idx %arg5[%add3A_418] : memref<65920xi32, #tpu.memory_space<vmem>>[vector<16xi32>], vector<16xi32>,
      %and3A_420 = arith.andi %and3A_407, %gather3A_419 : vector<16xi32>
      %add3A_421 = arith.constant 5376 : i32
      %add3A_422 = vector.broadcast %add3A_421 : i32 to vector<16xi32>
      %add3A_423 = arith.addi %add3A_422, %broadcast_in_dim3A_330 : vector<16xi32>
      %gather3A_424 = tpu.vector_load_idx %arg7[%add3A_423] : memref<6144xi32, #tpu.memory_space<vmem>>[vector<16xi32>], vector<16xi32>,
      %add3A_425 = arith.constant 3605 : i32
      %add3A_426 = vector.broadcast %add3A_425 : i32 to vector<16xi32>
      %add3A_427 = arith.addi %gather3A_424, %add3A_426 : vector<16xi32>
      %mul3A_428 = arith.constant 16 : i32
      %mul3A_429 = vector.broadcast %mul3A_428 : i32 to vector<16xi32>
      %mul3A_430 = arith.muli %add3A_427, %mul3A_429 : vector<16xi32>
      %add3A_431 = arith.addi %mul3A_430, %iota3A : vector<16xi32>
      %gather3A_432 = tpu.vector_load_idx %arg5[%add3A_431] : memref<65920xi32, #tpu.memory_space<vmem>>[vector<16xi32>], vector<16xi32>,
      %and3A_433 = arith.andi %and3A_420, %gather3A_432 : vector<16xi32>
      tpu.vector_store_idx %arg8[%iota3A, %broadcast_in_dim3A_330], %and3A_433 : memref<16x768xi32, #tpu.memory_space<vmem>>[vector<16xi32>, vector<16xi32>], vector<16xi32>,
      %mul3A_434 = arith.constant 4 : i32
      %mul3A_435 = arith.muli %scan3A_110, %mul3A_434 : i32
      %add3A_436 = arith.constant 3 : i32
      %add3A_437 = arith.addi %mul3A_435, %add3A_436 : i32
      %broadcast_in_dim3A_438 = vector.broadcast %add3A_437 : i32 to vector<16xi32>
      %add3A_439 = arith.constant 0 : i32
      %add3A_440 = vector.broadcast %add3A_439 : i32 to vector<16xi32>
      %add3A_441 = arith.addi %add3A_440, %broadcast_in_dim3A_438 : vector<16xi32>
      %gather3A_442 = tpu.vector_load_idx %arg7[%add3A_441] : memref<6144xi32, #tpu.memory_space<vmem>>[vector<16xi32>], vector<16xi32>,
      %add3A_443 = arith.constant 0 : i32
      %add3A_444 = vector.broadcast %add3A_443 : i32 to vector<16xi32>
      %add3A_445 = arith.addi %gather3A_442, %add3A_444 : vector<16xi32>
      %mul3A_446 = arith.constant 16 : i32
      %mul3A_447 = vector.broadcast %mul3A_446 : i32 to vector<16xi32>
      %mul3A_448 = arith.muli %add3A_445, %mul3A_447 : vector<16xi32>
      %add3A_449 = arith.addi %mul3A_448, %iota3A : vector<16xi32>
      %gather3A_450 = tpu.vector_load_idx %arg5[%add3A_449] : memref<65920xi32, #tpu.memory_space<vmem>>[vector<16xi32>], vector<16xi32>,
      %add3A_451 = arith.constant 768 : i32
      %add3A_452 = vector.broadcast %add3A_451 : i32 to vector<16xi32>
      %add3A_453 = arith.addi %add3A_452, %broadcast_in_dim3A_438 : vector<16xi32>
      %gather3A_454 = tpu.vector_load_idx %arg7[%add3A_453] : memref<6144xi32, #tpu.memory_space<vmem>>[vector<16xi32>], vector<16xi32>,
      %add3A_455 = arith.constant 515 : i32
      %add3A_456 = vector.broadcast %add3A_455 : i32 to vector<16xi32>
      %add3A_457 = arith.addi %gather3A_454, %add3A_456 : vector<16xi32>
      %mul3A_458 = arith.constant 16 : i32
      %mul3A_459 = vector.broadcast %mul3A_458 : i32 to vector<16xi32>
      %mul3A_460 = arith.muli %add3A_457, %mul3A_459 : vector<16xi32>
      %add3A_461 = arith.addi %mul3A_460, %iota3A : vector<16xi32>
      %gather3A_462 = tpu.vector_load_idx %arg5[%add3A_461] : memref<65920xi32, #tpu.memory_space<vmem>>[vector<16xi32>], vector<16xi32>,
      %and3A_463 = arith.andi %gather3A_450, %gather3A_462 : vector<16xi32>
      %add3A_464 = arith.constant 1536 : i32
      %add3A_465 = vector.broadcast %add3A_464 : i32 to vector<16xi32>
      %add3A_466 = arith.addi %add3A_465, %broadcast_in_dim3A_438 : vector<16xi32>
      %gather3A_467 = tpu.vector_load_idx %arg7[%add3A_466] : memref<6144xi32, #tpu.memory_space<vmem>>[vector<16xi32>], vector<16xi32>,
      %add3A_468 = arith.constant 1030 : i32
      %add3A_469 = vector.broadcast %add3A_468 : i32 to vector<16xi32>
      %add3A_470 = arith.addi %gather3A_467, %add3A_469 : vector<16xi32>
      %mul3A_471 = arith.constant 16 : i32
      %mul3A_472 = vector.broadcast %mul3A_471 : i32 to vector<16xi32>
      %mul3A_473 = arith.muli %add3A_470, %mul3A_472 : vector<16xi32>
      %add3A_474 = arith.addi %mul3A_473, %iota3A : vector<16xi32>
      %gather3A_475 = tpu.vector_load_idx %arg5[%add3A_474] : memref<65920xi32, #tpu.memory_space<vmem>>[vector<16xi32>], vector<16xi32>,
      %and3A_476 = arith.andi %and3A_463, %gather3A_475 : vector<16xi32>
      %add3A_477 = arith.constant 2304 : i32
      %add3A_478 = vector.broadcast %add3A_477 : i32 to vector<16xi32>
      %add3A_479 = arith.addi %add3A_478, %broadcast_in_dim3A_438 : vector<16xi32>
      %gather3A_480 = tpu.vector_load_idx %arg7[%add3A_479] : memref<6144xi32, #tpu.memory_space<vmem>>[vector<16xi32>], vector<16xi32>,
      %add3A_481 = arith.constant 1545 : i32
      %add3A_482 = vector.broadcast %add3A_481 : i32 to vector<16xi32>
      %add3A_483 = arith.addi %gather3A_480, %add3A_482 : vector<16xi32>
      %mul3A_484 = arith.constant 16 : i32
      %mul3A_485 = vector.broadcast %mul3A_484 : i32 to vector<16xi32>
      %mul3A_486 = arith.muli %add3A_483, %mul3A_485 : vector<16xi32>
      %add3A_487 = arith.addi %mul3A_486, %iota3A : vector<16xi32>
      %gather3A_488 = tpu.vector_load_idx %arg5[%add3A_487] : memref<65920xi32, #tpu.memory_space<vmem>>[vector<16xi32>], vector<16xi32>,
      %and3A_489 = arith.andi %and3A_476, %gather3A_488 : vector<16xi32>
      %add3A_490 = arith.constant 3072 : i32
      %add3A_491 = vector.broadcast %add3A_490 : i32 to vector<16xi32>
      %add3A_492 = arith.addi %add3A_491, %broadcast_in_dim3A_438 : vector<16xi32>
      %gather3A_493 = tpu.vector_load_idx %arg7[%add3A_492] : memref<6144xi32, #tpu.memory_space<vmem>>[vector<16xi32>], vector<16xi32>,
      %add3A_494 = arith.constant 2060 : i32
      %add3A_495 = vector.broadcast %add3A_494 : i32 to vector<16xi32>
      %add3A_496 = arith.addi %gather3A_493, %add3A_495 : vector<16xi32>
      %mul3A_497 = arith.constant 16 : i32
      %mul3A_498 = vector.broadcast %mul3A_497 : i32 to vector<16xi32>
      %mul3A_499 = arith.muli %add3A_496, %mul3A_498 : vector<16xi32>
      %add3A_500 = arith.addi %mul3A_499, %iota3A : vector<16xi32>
      %gather3A_501 = tpu.vector_load_idx %arg5[%add3A_500] : memref<65920xi32, #tpu.memory_space<vmem>>[vector<16xi32>], vector<16xi32>,
      %and3A_502 = arith.andi %and3A_489, %gather3A_501 : vector<16xi32>
      %add3A_503 = arith.constant 3840 : i32
      %add3A_504 = vector.broadcast %add3A_503 : i32 to vector<16xi32>
      %add3A_505 = arith.addi %add3A_504, %broadcast_in_dim3A_438 : vector<16xi32>
      %gather3A_506 = tpu.vector_load_idx %arg7[%add3A_505] : memref<6144xi32, #tpu.memory_space<vmem>>[vector<16xi32>], vector<16xi32>,
      %add3A_507 = arith.constant 2575 : i32
      %add3A_508 = vector.broadcast %add3A_507 : i32 to vector<16xi32>
      %add3A_509 = arith.addi %gather3A_506, %add3A_508 : vector<16xi32>
      %mul3A_510 = arith.constant 16 : i32
      %mul3A_511 = vector.broadcast %mul3A_510 : i32 to vector<16xi32>
      %mul3A_512 = arith.muli %add3A_509, %mul3A_511 : vector<16xi32>
      %add3A_513 = arith.addi %mul3A_512, %iota3A : vector<16xi32>
      %gather3A_514 = tpu.vector_load_idx %arg5[%add3A_513] : memref<65920xi32, #tpu.memory_space<vmem>>[vector<16xi32>], vector<16xi32>,
      %and3A_515 = arith.andi %and3A_502, %gather3A_514 : vector<16xi32>
      %add3A_516 = arith.constant 4608 : i32
      %add3A_517 = vector.broadcast %add3A_516 : i32 to vector<16xi32>
      %add3A_518 = arith.addi %add3A_517, %broadcast_in_dim3A_438 : vector<16xi32>
      %gather3A_519 = tpu.vector_load_idx %arg7[%add3A_518] : memref<6144xi32, #tpu.memory_space<vmem>>[vector<16xi32>], vector<16xi32>,
      %add3A_520 = arith.constant 3090 : i32
      %add3A_521 = vector.broadcast %add3A_520 : i32 to vector<16xi32>
      %add3A_522 = arith.addi %gather3A_519, %add3A_521 : vector<16xi32>
      %mul3A_523 = arith.constant 16 : i32
      %mul3A_524 = vector.broadcast %mul3A_523 : i32 to vector<16xi32>
      %mul3A_525 = arith.muli %add3A_522, %mul3A_524 : vector<16xi32>
      %add3A_526 = arith.addi %mul3A_525, %iota3A : vector<16xi32>
      %gather3A_527 = tpu.vector_load_idx %arg5[%add3A_526] : memref<65920xi32, #tpu.memory_space<vmem>>[vector<16xi32>], vector<16xi32>,
      %and3A_528 = arith.andi %and3A_515, %gather3A_527 : vector<16xi32>
      %add3A_529 = arith.constant 5376 : i32
      %add3A_530 = vector.broadcast %add3A_529 : i32 to vector<16xi32>
      %add3A_531 = arith.addi %add3A_530, %broadcast_in_dim3A_438 : vector<16xi32>
      %gather3A_532 = tpu.vector_load_idx %arg7[%add3A_531] : memref<6144xi32, #tpu.memory_space<vmem>>[vector<16xi32>], vector<16xi32>,
      %add3A_533 = arith.constant 3605 : i32
      %add3A_534 = vector.broadcast %add3A_533 : i32 to vector<16xi32>
      %add3A_535 = arith.addi %gather3A_532, %add3A_534 : vector<16xi32>
      %mul3A_536 = arith.constant 16 : i32
      %mul3A_537 = vector.broadcast %mul3A_536 : i32 to vector<16xi32>
      %mul3A_538 = arith.muli %add3A_535, %mul3A_537 : vector<16xi32>
      %add3A_539 = arith.addi %mul3A_538, %iota3A : vector<16xi32>
      %gather3A_540 = tpu.vector_load_idx %arg5[%add3A_539] : memref<65920xi32, #tpu.memory_space<vmem>>[vector<16xi32>], vector<16xi32>,
      %and3A_541 = arith.andi %and3A_528, %gather3A_540 : vector<16xi32>
      tpu.vector_store_idx %arg8[%iota3A, %broadcast_in_dim3A_438], %and3A_541 : memref<16x768xi32, #tpu.memory_space<vmem>>[vector<16xi32>, vector<16xi32>], vector<16xi32>,
    }
    %scan3A_107 = arith.constant 192 : i32
    %mul3A_108 = arith.constant 768 : i32
    %mul3A_109 = arith.muli %select_n3A_30, %mul3A_108 : i32
    "tpu.region"() ({
      %run_scoped3A = tpu.sem_alloc : memref<!tpu.dma_semaphore, #tpu.memory_space<semaphore_mem>>
      %dma_start3A = arith.constant 0 : i32
      %dma_start3A_110 = tpu.memref_slice %arg4[%select_n3A, %dma_start3A, %mul3A_109] : memref<8x16x3072xi32, #tpu.memory_space<hbm>> -> memref<1x16x768xi32, #tpu.memory_space<hbm>>
      %dma_start3A_111 = tpu.memref_squeeze %dma_start3A_110 : memref<1x16x768xi32, #tpu.memory_space<hbm>> -> memref<16x768xi32, #tpu.memory_space<hbm>>
      %dma_start3A_112 = arith.constant 0 : i32
      %dma_start3A_113 = tpu.memref_slice %arg4[%select_n3A, %dma_start3A_112, %mul3A_109] : memref<8x16x3072xi32, #tpu.memory_space<hbm>> -> memref<1x16x768xi32, #tpu.memory_space<hbm>>
      %dma_start3A_114 = tpu.memref_squeeze %dma_start3A_113 : memref<1x16x768xi32, #tpu.memory_space<hbm>> -> memref<16x768xi32, #tpu.memory_space<hbm>>
      tpu.enqueue_dma source(%arg8 : memref<16x768xi32, #tpu.memory_space<vmem>>) target(%dma_start3A_114 : memref<16x768xi32, #tpu.memory_space<hbm>>) target_semaphore(%run_scoped3A : memref<!tpu.dma_semaphore, #tpu.memory_space<semaphore_mem>>)
      %dma_wait3A = arith.constant 0 : i32
      %dma_wait3A_115 = tpu.memref_slice %arg4[%select_n3A, %dma_wait3A, %mul3A_109] : memref<8x16x3072xi32, #tpu.memory_space<hbm>> -> memref<1x16x768xi32, #tpu.memory_space<hbm>>
      %dma_wait3A_116 = tpu.memref_squeeze %dma_wait3A_115 : memref<1x16x768xi32, #tpu.memory_space<hbm>> -> memref<16x768xi32, #tpu.memory_space<hbm>>
      %dma_wait3A_117 = arith.constant 0 : i32
      %dma_wait3A_118 = tpu.memref_slice %arg4[%select_n3A, %dma_wait3A_117, %mul3A_109] : memref<8x16x3072xi32, #tpu.memory_space<hbm>> -> memref<1x16x768xi32, #tpu.memory_space<hbm>>
      %dma_wait3A_119 = tpu.memref_squeeze %dma_wait3A_118 : memref<1x16x768xi32, #tpu.memory_space<hbm>> -> memref<16x768xi32, #tpu.memory_space<hbm>>
      tpu.wait_dma2 semaphore(%run_scoped3A : memref<!tpu.dma_semaphore, #tpu.memory_space<semaphore_mem>>) src(%arg8 : memref<16x768xi32, #tpu.memory_space<vmem>>) dst(%dma_wait3A_119 : memref<16x768xi32, #tpu.memory_space<hbm>>)
      tpu.yield
    }) : () -> ()
    return
  }
}

module attributes {stable_mosaic.version = 14 : i64} {
  func.func @_codes_body(%arg0: i32, %arg1: memref<1x512x64xf32, #tpu.memory_space<vmem>>, %arg2: memref<1x512x64xf32, #tpu.memory_space<vmem>>, %arg3: memref<1x512x1xi32, #tpu.memory_space<vmem>>, %arg4: memref<1x512x1xi32, #tpu.memory_space<vmem>>) attributes {dimension_semantics = [#tpu.dimension_semantics<arbitrary>], iteration_bounds = array<i64: 8>, scalar_prefetch = 0 : i64, scratch_operands = 0 : i64, tpu.core_type = #tpu.core_type<tc>, window_params = [{transform_indices = @transform_0, window_bounds = array<i64: 1, 512, 64>}, {transform_indices = @transform_1, window_bounds = array<i64: 1, 512, 64>}, {transform_indices = @transform_2, window_bounds = array<i64: 1, 512, 1>}, {transform_indices = @transform_3, window_bounds = array<i64: 1, 512, 1>}]} {
    %get3A = arith.constant 0 : index
    %get3A_0 = arith.constant 0 : index
    %get3A_1 = arith.constant 0 : index
    %get3A_2 = vector.load %arg1[%get3A, %get3A_0, %get3A_1] : memref<1x512x64xf32, #tpu.memory_space<vmem>>, vector<1x512x64xf32>
    %get3A_3 = vector.shape_cast %get3A_2 : vector<1x512x64xf32> to vector<512x64xf32>
    %get3A_4 = arith.constant 0 : index
    %get3A_5 = arith.constant 0 : index
    %get3A_6 = arith.constant 0 : index
    %get3A_7 = vector.load %arg2[%get3A_4, %get3A_5, %get3A_6] : memref<1x512x64xf32, #tpu.memory_space<vmem>>, vector<1x512x64xf32>
    %get3A_8 = vector.shape_cast %get3A_7 : vector<1x512x64xf32> to vector<512x64xf32>
    %dot_general3A = arith.constant dense<0.000000e+00> : vector<512x512xf32>
    %dot_general3A_9 = tpu.matmul %get3A_3, %get3A_8, %dot_general3A {dimension_numbers = #tpu.dot_dimension_numbers<[1], [1], [0], [0], [0, 0, 1, 0], [], []>, transpose_lhs_hint = false} : vector<512x64xf32>, vector<512x64xf32>, vector<512x512xf32> -> vector<512x512xf32>
    %mul3A = arith.constant -2.000000e+00 : f32
    %mul3A_10 = vector.broadcast %mul3A : f32 to vector<512x512xf32>
    %mul3A_11 = arith.mulf %mul3A_10, %dot_general3A_9 : vector<512x512xf32>
    %broadcast_in_dim3A = arith.constant 1.000000e+00 : f32
    %broadcast_in_dim3A_12 = vector.broadcast %broadcast_in_dim3A : f32 to vector<1x64xf32>
    %mul3A_13 = arith.mulf %get3A_8, %get3A_8 : vector<512x64xf32>
    %dot_general3A_14 = arith.constant dense<0.000000e+00> : vector<1x512xf32>
    %dot_general3A_15 = tpu.matmul %broadcast_in_dim3A_12, %mul3A_13, %dot_general3A_14 {dimension_numbers = #tpu.dot_dimension_numbers<[1], [1], [0], [0], [0, 0, 1, 0], [], []>, transpose_lhs_hint = false} : vector<1x64xf32>, vector<512x64xf32>, vector<1x512xf32> -> vector<1x512xf32>
    %add3A = vector.broadcast %dot_general3A_15 : vector<1x512xf32> to vector<512x512xf32>
    %add3A_16 = arith.addf %mul3A_11, %add3A : vector<512x512xf32>
    %reduce_min3A = arith.constant dense<0x7F800000> : vector<512xf32>
    %reduce_min3A_17 = vector.multi_reduction <minimumf>, %add3A_16, %reduce_min3A [1] : vector<512x512xf32> to vector<512xf32>
    %broadcast_in_dim3A_18 = vector.shape_cast %reduce_min3A_17 : vector<512xf32> to vector<512x1xf32>
    %iota3A = tpu.iota {dimensions = array<i32: 1>} : vector<512x512xi32>
    %eq3A = vector.broadcast %broadcast_in_dim3A_18 : vector<512x1xf32> to vector<512x512xf32>
    %eq3A_19 = arith.cmpf oeq, %add3A_16, %eq3A : vector<512x512xf32>
    %jit3A = arith.constant 512 : i32
    %broadcast_in_dim3A_20 = vector.broadcast %jit3A : i32 to vector<512x512xi32>
    %select_n3A = arith.select %eq3A_19, %iota3A, %broadcast_in_dim3A_20 : vector<512x512xi1>, vector<512x512xi32>
    %reduce_min3A_21 = arith.constant dense<2147483647> : vector<512xi32>
    %reduce_min3A_22 = vector.multi_reduction <minsi>, %select_n3A, %reduce_min3A_21 [1] : vector<512x512xi32> to vector<512xi32>
    %broadcast_in_dim3A_23 = vector.shape_cast %reduce_min3A_22 : vector<512xi32> to vector<512x1xi32>
    %get3A_24 = arith.constant 0 : index
    %get3A_25 = arith.constant 0 : index
    %get3A_26 = arith.constant 0 : index
    %get3A_27 = vector.load %arg3[%get3A_24, %get3A_25, %get3A_26] : memref<1x512x1xi32, #tpu.memory_space<vmem>>, vector<1x512x1xi32>
    %get3A_28 = vector.shape_cast %get3A_27 : vector<1x512x1xi32> to vector<512x1xi32>
    %ne3A = arith.constant 0 : i32
    %ne3A_29 = vector.broadcast %ne3A : i32 to vector<512x1xi32>
    %ne3A_30 = arith.cmpi ne, %get3A_28, %ne3A_29 : vector<512x1xi32>
    %add3A_31 = arith.constant 2 : i32
    %add3A_32 = vector.broadcast %add3A_31 : i32 to vector<512x1xi32>
    %add3A_33 = arith.addi %broadcast_in_dim3A_23, %add3A_32 : vector<512x1xi32>
    %jit3A_34 = arith.constant 1 : i32
    %broadcast_in_dim3A_35 = vector.broadcast %jit3A_34 : i32 to vector<512x1xi32>
    %select_n3A_36 = arith.select %ne3A_30, %add3A_33, %broadcast_in_dim3A_35 : vector<512x1xi1>, vector<512x1xi32>
    %swap3A = arith.constant 0 : index
    %swap3A_37 = arith.constant 0 : index
    %swap3A_38 = arith.constant 0 : index
    %swap3A_39 = vector.load %arg4[%swap3A, %swap3A_37, %swap3A_38] : memref<1x512x1xi32, #tpu.memory_space<vmem>>, vector<1x512x1xi32>
    %swap3A_40 = vector.shape_cast %swap3A_39 : vector<1x512x1xi32> to vector<512x1xi32>
    %swap3A_41 = vector.shape_cast %select_n3A_36 : vector<512x1xi32> to vector<1x512x1xi32>
    tpu.vector_store %arg4[%swap3A, %swap3A_37, %swap3A_38], %swap3A_41 {strides = array<i32>} : memref<1x512x1xi32, #tpu.memory_space<vmem>>, vector<1x512x1xi32>,
    return
  }
  func.func @transform_0(%arg0: i32) -> (i32, i32, i32) {
    %c0_i32 = arith.constant 0 : i32
    %c0_i32_0 = arith.constant 0 : i32
    %c0_i32_1 = arith.constant 0 : i32
    return %arg0, %c0_i32, %c0_i32_0 : i32, i32, i32
  }
  func.func @transform_1(%arg0: i32) -> (i32, i32, i32) {
    %c0_i32 = arith.constant 0 : i32
    %c0_i32_0 = arith.constant 0 : i32
    %c0_i32_1 = arith.constant 0 : i32
    return %arg0, %c0_i32, %c0_i32_0 : i32, i32, i32
  }
  func.func @transform_2(%arg0: i32) -> (i32, i32, i32) {
    %c0_i32 = arith.constant 0 : i32
    %c0_i32_0 = arith.constant 0 : i32
    %c0_i32_1 = arith.constant 0 : i32
    return %arg0, %c0_i32, %c0_i32_0 : i32, i32, i32
  }
  func.func @transform_3(%arg0: i32) -> (i32, i32, i32) {
    %c0_i32 = arith.constant 0 : i32
    %c0_i32_0 = arith.constant 0 : i32
    %c0_i32_1 = arith.constant 0 : i32
    return %arg0, %c0_i32, %c0_i32_0 : i32, i32, i32
  }
}

module attributes {stable_mosaic.version = 14 : i64} {
  func.func @_attn_body(%arg0: i32, %arg1: memref<1x16x3072xi32, #tpu.memory_space<vmem>>, %arg2: memref<1x3000x64xf32, #tpu.memory_space<vmem>>, %arg3: memref<1x3000x1xf32, #tpu.memory_space<vmem>>, %arg4: memref<1x3000x1xf32, #tpu.memory_space<vmem>>, %arg5: memref<1x32x64xf32, #tpu.memory_space<vmem>>, %arg6: memref<1x64x64xf32, #tpu.memory_space<vmem>>, %arg7: memref<1x1x64xf32, #tpu.memory_space<vmem>>, %arg8: memref<1x65x64xf32, #tpu.memory_space<vmem>>, %arg9: memref<1x1x64xf32, #tpu.memory_space<vmem>>, %arg10: memref<1x65x65xf32, #tpu.memory_space<vmem>>, %arg11: memref<1x1x65xf32, #tpu.memory_space<vmem>>, %arg12: memref<1x2x65xf32, #tpu.memory_space<vmem>>, %arg13: memref<32x2xf32, #tpu.memory_space<vmem>>) attributes {dimension_semantics = [#tpu.dimension_semantics<arbitrary>], iteration_bounds = array<i64: 8>, scalar_prefetch = 0 : i64, scratch_operands = 0 : i64, tpu.core_type = #tpu.core_type<tc>, window_params = [{transform_indices = @transform_0, window_bounds = array<i64: 1, 16, 3072>}, {transform_indices = @transform_1, window_bounds = array<i64: 1, 3000, 64>}, {transform_indices = @transform_2, window_bounds = array<i64: 1, 3000, 1>}, {transform_indices = @transform_3, window_bounds = array<i64: 1, 3000, 1>}, {transform_indices = @transform_4, window_bounds = array<i64: 1, 32, 64>}, {transform_indices = @transform_5, window_bounds = array<i64: 1, 64, 64>}, {transform_indices = @transform_6, window_bounds = array<i64: 1, 1, 64>}, {transform_indices = @transform_7, window_bounds = array<i64: 1, 65, 64>}, {transform_indices = @transform_8, window_bounds = array<i64: 1, 1, 64>}, {transform_indices = @transform_9, window_bounds = array<i64: 1, 65, 65>}, {transform_indices = @transform_10, window_bounds = array<i64: 1, 1, 65>}, {transform_indices = @transform_11, window_bounds = array<i64: 1, 2, 65>}, {pipeline_mode = #tpu.pipeline_mode<synchronous>, transform_indices = @transform_12, window_bounds = array<i64: 32, 2>}]} {
    %get3A = arith.constant 0 : index
    %get3A_0 = arith.constant 0 : index
    %get3A_1 = arith.constant 0 : index
    %get3A_2 = vector.load %arg1[%get3A, %get3A_0, %get3A_1] : memref<1x16x3072xi32, #tpu.memory_space<vmem>>, vector<1x16x3072xi32>
    %get3A_3 = vector.shape_cast %get3A_2 : vector<1x16x3072xi32> to vector<16x3072xi32>
    %slice3A = vector.extract_strided_slice %get3A_3 {offsets = [0, 0], sizes = [16, 3000], strides = [1, 1]} : vector<16x3072xi32> to vector<16x3000xi32>
    %slice3A_4 = vector.extract_strided_slice %slice3A {offsets = [0, 0], sizes = [1, 3000], strides = [1, 1]} : vector<16x3000xi32> to vector<1x3000xi32>
    %and3A = arith.constant 65535 : i32
    %and3A_5 = vector.broadcast %and3A : i32 to vector<1x3000xi32>
    %and3A_6 = arith.andi %slice3A_4, %and3A_5 : vector<1x3000xi32>
    %shift_right_logical3A = arith.constant 16 : i32
    %shift_right_logical3A_7 = vector.broadcast %shift_right_logical3A : i32 to vector<1x3000xi32>
    %shift_right_logical3A_8 = arith.shrui %slice3A_4, %shift_right_logical3A_7 : vector<1x3000xi32>
    %ne3A = arith.constant 0 : i32
    %ne3A_9 = vector.broadcast %ne3A : i32 to vector<1x3000xi32>
    %ne3A_10 = arith.cmpi ne, %and3A_6, %ne3A_9 : vector<1x3000xi32>
    %jit3A = arith.constant 1.000000e+00 : f32
    %jit3A_11 = arith.constant 0.000000e+00 : f32
    %broadcast_in_dim3A = vector.broadcast %jit3A : f32 to vector<1x3000xf32>
    %broadcast_in_dim3A_12 = vector.broadcast %jit3A_11 : f32 to vector<1x3000xf32>
    %select_n3A = arith.select %ne3A_10, %broadcast_in_dim3A, %broadcast_in_dim3A_12 : vector<1x3000xi1>, vector<1x3000xf32>
    %ne3A_13 = arith.constant 0 : i32
    %ne3A_14 = vector.broadcast %ne3A_13 : i32 to vector<1x3000xi32>
    %ne3A_15 = arith.cmpi ne, %shift_right_logical3A_8, %ne3A_14 : vector<1x3000xi32>
    %jit3A_16 = arith.constant 1.000000e+00 : f32
    %jit3A_17 = arith.constant 0.000000e+00 : f32
    %broadcast_in_dim3A_18 = vector.broadcast %jit3A_16 : f32 to vector<1x3000xf32>
    %broadcast_in_dim3A_19 = vector.broadcast %jit3A_17 : f32 to vector<1x3000xf32>
    %select_n3A_20 = arith.select %ne3A_15, %broadcast_in_dim3A_18, %broadcast_in_dim3A_19 : vector<1x3000xi1>, vector<1x3000xf32>
    %slice3A_21 = vector.extract_strided_slice %slice3A {offsets = [1, 0], sizes = [1, 3000], strides = [1, 1]} : vector<16x3000xi32> to vector<1x3000xi32>
    %and3A_22 = arith.constant 65535 : i32
    %and3A_23 = vector.broadcast %and3A_22 : i32 to vector<1x3000xi32>
    %and3A_24 = arith.andi %slice3A_21, %and3A_23 : vector<1x3000xi32>
    %shift_right_logical3A_25 = arith.constant 16 : i32
    %shift_right_logical3A_26 = vector.broadcast %shift_right_logical3A_25 : i32 to vector<1x3000xi32>
    %shift_right_logical3A_27 = arith.shrui %slice3A_21, %shift_right_logical3A_26 : vector<1x3000xi32>
    %ne3A_28 = arith.constant 0 : i32
    %ne3A_29 = vector.broadcast %ne3A_28 : i32 to vector<1x3000xi32>
    %ne3A_30 = arith.cmpi ne, %and3A_24, %ne3A_29 : vector<1x3000xi32>
    %jit3A_31 = arith.constant 1.000000e+00 : f32
    %jit3A_32 = arith.constant 0.000000e+00 : f32
    %broadcast_in_dim3A_33 = vector.broadcast %jit3A_31 : f32 to vector<1x3000xf32>
    %broadcast_in_dim3A_34 = vector.broadcast %jit3A_32 : f32 to vector<1x3000xf32>
    %select_n3A_35 = arith.select %ne3A_30, %broadcast_in_dim3A_33, %broadcast_in_dim3A_34 : vector<1x3000xi1>, vector<1x3000xf32>
    %ne3A_36 = arith.constant 0 : i32
    %ne3A_37 = vector.broadcast %ne3A_36 : i32 to vector<1x3000xi32>
    %ne3A_38 = arith.cmpi ne, %shift_right_logical3A_27, %ne3A_37 : vector<1x3000xi32>
    %jit3A_39 = arith.constant 1.000000e+00 : f32
    %jit3A_40 = arith.constant 0.000000e+00 : f32
    %broadcast_in_dim3A_41 = vector.broadcast %jit3A_39 : f32 to vector<1x3000xf32>
    %broadcast_in_dim3A_42 = vector.broadcast %jit3A_40 : f32 to vector<1x3000xf32>
    %select_n3A_43 = arith.select %ne3A_38, %broadcast_in_dim3A_41, %broadcast_in_dim3A_42 : vector<1x3000xi1>, vector<1x3000xf32>
    %slice3A_44 = vector.extract_strided_slice %slice3A {offsets = [2, 0], sizes = [1, 3000], strides = [1, 1]} : vector<16x3000xi32> to vector<1x3000xi32>
    %and3A_45 = arith.constant 65535 : i32
    %and3A_46 = vector.broadcast %and3A_45 : i32 to vector<1x3000xi32>
    %and3A_47 = arith.andi %slice3A_44, %and3A_46 : vector<1x3000xi32>
    %shift_right_logical3A_48 = arith.constant 16 : i32
    %shift_right_logical3A_49 = vector.broadcast %shift_right_logical3A_48 : i32 to vector<1x3000xi32>
    %shift_right_logical3A_50 = arith.shrui %slice3A_44, %shift_right_logical3A_49 : vector<1x3000xi32>
    %ne3A_51 = arith.constant 0 : i32
    %ne3A_52 = vector.broadcast %ne3A_51 : i32 to vector<1x3000xi32>
    %ne3A_53 = arith.cmpi ne, %and3A_47, %ne3A_52 : vector<1x3000xi32>
    %jit3A_54 = arith.constant 1.000000e+00 : f32
    %jit3A_55 = arith.constant 0.000000e+00 : f32
    %broadcast_in_dim3A_56 = vector.broadcast %jit3A_54 : f32 to vector<1x3000xf32>
    %broadcast_in_dim3A_57 = vector.broadcast %jit3A_55 : f32 to vector<1x3000xf32>
    %select_n3A_58 = arith.select %ne3A_53, %broadcast_in_dim3A_56, %broadcast_in_dim3A_57 : vector<1x3000xi1>, vector<1x3000xf32>
    %ne3A_59 = arith.constant 0 : i32
    %ne3A_60 = vector.broadcast %ne3A_59 : i32 to vector<1x3000xi32>
    %ne3A_61 = arith.cmpi ne, %shift_right_logical3A_50, %ne3A_60 : vector<1x3000xi32>
    %jit3A_62 = arith.constant 1.000000e+00 : f32
    %jit3A_63 = arith.constant 0.000000e+00 : f32
    %broadcast_in_dim3A_64 = vector.broadcast %jit3A_62 : f32 to vector<1x3000xf32>
    %broadcast_in_dim3A_65 = vector.broadcast %jit3A_63 : f32 to vector<1x3000xf32>
    %select_n3A_66 = arith.select %ne3A_61, %broadcast_in_dim3A_64, %broadcast_in_dim3A_65 : vector<1x3000xi1>, vector<1x3000xf32>
    %slice3A_67 = vector.extract_strided_slice %slice3A {offsets = [3, 0], sizes = [1, 3000], strides = [1, 1]} : vector<16x3000xi32> to vector<1x3000xi32>
    %and3A_68 = arith.constant 65535 : i32
    %and3A_69 = vector.broadcast %and3A_68 : i32 to vector<1x3000xi32>
    %and3A_70 = arith.andi %slice3A_67, %and3A_69 : vector<1x3000xi32>
    %shift_right_logical3A_71 = arith.constant 16 : i32
    %shift_right_logical3A_72 = vector.broadcast %shift_right_logical3A_71 : i32 to vector<1x3000xi32>
    %shift_right_logical3A_73 = arith.shrui %slice3A_67, %shift_right_logical3A_72 : vector<1x3000xi32>
    %ne3A_74 = arith.constant 0 : i32
    %ne3A_75 = vector.broadcast %ne3A_74 : i32 to vector<1x3000xi32>
    %ne3A_76 = arith.cmpi ne, %and3A_70, %ne3A_75 : vector<1x3000xi32>
    %jit3A_77 = arith.constant 1.000000e+00 : f32
    %jit3A_78 = arith.constant 0.000000e+00 : f32
    %broadcast_in_dim3A_79 = vector.broadcast %jit3A_77 : f32 to vector<1x3000xf32>
    %broadcast_in_dim3A_80 = vector.broadcast %jit3A_78 : f32 to vector<1x3000xf32>
    %select_n3A_81 = arith.select %ne3A_76, %broadcast_in_dim3A_79, %broadcast_in_dim3A_80 : vector<1x3000xi1>, vector<1x3000xf32>
    %ne3A_82 = arith.constant 0 : i32
    %ne3A_83 = vector.broadcast %ne3A_82 : i32 to vector<1x3000xi32>
    %ne3A_84 = arith.cmpi ne, %shift_right_logical3A_73, %ne3A_83 : vector<1x3000xi32>
    %jit3A_85 = arith.constant 1.000000e+00 : f32
    %jit3A_86 = arith.constant 0.000000e+00 : f32
    %broadcast_in_dim3A_87 = vector.broadcast %jit3A_85 : f32 to vector<1x3000xf32>
    %broadcast_in_dim3A_88 = vector.broadcast %jit3A_86 : f32 to vector<1x3000xf32>
    %select_n3A_89 = arith.select %ne3A_84, %broadcast_in_dim3A_87, %broadcast_in_dim3A_88 : vector<1x3000xi1>, vector<1x3000xf32>
    %slice3A_90 = vector.extract_strided_slice %slice3A {offsets = [4, 0], sizes = [1, 3000], strides = [1, 1]} : vector<16x3000xi32> to vector<1x3000xi32>
    %and3A_91 = arith.constant 65535 : i32
    %and3A_92 = vector.broadcast %and3A_91 : i32 to vector<1x3000xi32>
    %and3A_93 = arith.andi %slice3A_90, %and3A_92 : vector<1x3000xi32>
    %shift_right_logical3A_94 = arith.constant 16 : i32
    %shift_right_logical3A_95 = vector.broadcast %shift_right_logical3A_94 : i32 to vector<1x3000xi32>
    %shift_right_logical3A_96 = arith.shrui %slice3A_90, %shift_right_logical3A_95 : vector<1x3000xi32>
    %ne3A_97 = arith.constant 0 : i32
    %ne3A_98 = vector.broadcast %ne3A_97 : i32 to vector<1x3000xi32>
    %ne3A_99 = arith.cmpi ne, %and3A_93, %ne3A_98 : vector<1x3000xi32>
    %jit3A_100 = arith.constant 1.000000e+00 : f32
    %jit3A_101 = arith.constant 0.000000e+00 : f32
    %broadcast_in_dim3A_102 = vector.broadcast %jit3A_100 : f32 to vector<1x3000xf32>
    %broadcast_in_dim3A_103 = vector.broadcast %jit3A_101 : f32 to vector<1x3000xf32>
    %select_n3A_104 = arith.select %ne3A_99, %broadcast_in_dim3A_102, %broadcast_in_dim3A_103 : vector<1x3000xi1>, vector<1x3000xf32>
    %ne3A_105 = arith.constant 0 : i32
    %ne3A_106 = vector.broadcast %ne3A_105 : i32 to vector<1x3000xi32>
    %ne3A_107 = arith.cmpi ne, %shift_right_logical3A_96, %ne3A_106 : vector<1x3000xi32>
    %jit3A_108 = arith.constant 1.000000e+00 : f32
    %jit3A_109 = arith.constant 0.000000e+00 : f32
    %broadcast_in_dim3A_110 = vector.broadcast %jit3A_108 : f32 to vector<1x3000xf32>
    %broadcast_in_dim3A_111 = vector.broadcast %jit3A_109 : f32 to vector<1x3000xf32>
    %select_n3A_112 = arith.select %ne3A_107, %broadcast_in_dim3A_110, %broadcast_in_dim3A_111 : vector<1x3000xi1>, vector<1x3000xf32>
    %slice3A_113 = vector.extract_strided_slice %slice3A {offsets = [5, 0], sizes = [1, 3000], strides = [1, 1]} : vector<16x3000xi32> to vector<1x3000xi32>
    %and3A_114 = arith.constant 65535 : i32
    %and3A_115 = vector.broadcast %and3A_114 : i32 to vector<1x3000xi32>
    %and3A_116 = arith.andi %slice3A_113, %and3A_115 : vector<1x3000xi32>
    %shift_right_logical3A_117 = arith.constant 16 : i32
    %shift_right_logical3A_118 = vector.broadcast %shift_right_logical3A_117 : i32 to vector<1x3000xi32>
    %shift_right_logical3A_119 = arith.shrui %slice3A_113, %shift_right_logical3A_118 : vector<1x3000xi32>
    %ne3A_120 = arith.constant 0 : i32
    %ne3A_121 = vector.broadcast %ne3A_120 : i32 to vector<1x3000xi32>
    %ne3A_122 = arith.cmpi ne, %and3A_116, %ne3A_121 : vector<1x3000xi32>
    %jit3A_123 = arith.constant 1.000000e+00 : f32
    %jit3A_124 = arith.constant 0.000000e+00 : f32
    %broadcast_in_dim3A_125 = vector.broadcast %jit3A_123 : f32 to vector<1x3000xf32>
    %broadcast_in_dim3A_126 = vector.broadcast %jit3A_124 : f32 to vector<1x3000xf32>
    %select_n3A_127 = arith.select %ne3A_122, %broadcast_in_dim3A_125, %broadcast_in_dim3A_126 : vector<1x3000xi1>, vector<1x3000xf32>
    %ne3A_128 = arith.constant 0 : i32
    %ne3A_129 = vector.broadcast %ne3A_128 : i32 to vector<1x3000xi32>
    %ne3A_130 = arith.cmpi ne, %shift_right_logical3A_119, %ne3A_129 : vector<1x3000xi32>
    %jit3A_131 = arith.constant 1.000000e+00 : f32
    %jit3A_132 = arith.constant 0.000000e+00 : f32
    %broadcast_in_dim3A_133 = vector.broadcast %jit3A_131 : f32 to vector<1x3000xf32>
    %broadcast_in_dim3A_134 = vector.broadcast %jit3A_132 : f32 to vector<1x3000xf32>
    %select_n3A_135 = arith.select %ne3A_130, %broadcast_in_dim3A_133, %broadcast_in_dim3A_134 : vector<1x3000xi1>, vector<1x3000xf32>
    %slice3A_136 = vector.extract_strided_slice %slice3A {offsets = [6, 0], sizes = [1, 3000], strides = [1, 1]} : vector<16x3000xi32> to vector<1x3000xi32>
    %and3A_137 = arith.constant 65535 : i32
    %and3A_138 = vector.broadcast %and3A_137 : i32 to vector<1x3000xi32>
    %and3A_139 = arith.andi %slice3A_136, %and3A_138 : vector<1x3000xi32>
    %shift_right_logical3A_140 = arith.constant 16 : i32
    %shift_right_logical3A_141 = vector.broadcast %shift_right_logical3A_140 : i32 to vector<1x3000xi32>
    %shift_right_logical3A_142 = arith.shrui %slice3A_136, %shift_right_logical3A_141 : vector<1x3000xi32>
    %ne3A_143 = arith.constant 0 : i32
    %ne3A_144 = vector.broadcast %ne3A_143 : i32 to vector<1x3000xi32>
    %ne3A_145 = arith.cmpi ne, %and3A_139, %ne3A_144 : vector<1x3000xi32>
    %jit3A_146 = arith.constant 1.000000e+00 : f32
    %jit3A_147 = arith.constant 0.000000e+00 : f32
    %broadcast_in_dim3A_148 = vector.broadcast %jit3A_146 : f32 to vector<1x3000xf32>
    %broadcast_in_dim3A_149 = vector.broadcast %jit3A_147 : f32 to vector<1x3000xf32>
    %select_n3A_150 = arith.select %ne3A_145, %broadcast_in_dim3A_148, %broadcast_in_dim3A_149 : vector<1x3000xi1>, vector<1x3000xf32>
    %ne3A_151 = arith.constant 0 : i32
    %ne3A_152 = vector.broadcast %ne3A_151 : i32 to vector<1x3000xi32>
    %ne3A_153 = arith.cmpi ne, %shift_right_logical3A_142, %ne3A_152 : vector<1x3000xi32>
    %jit3A_154 = arith.constant 1.000000e+00 : f32
    %jit3A_155 = arith.constant 0.000000e+00 : f32
    %broadcast_in_dim3A_156 = vector.broadcast %jit3A_154 : f32 to vector<1x3000xf32>
    %broadcast_in_dim3A_157 = vector.broadcast %jit3A_155 : f32 to vector<1x3000xf32>
    %select_n3A_158 = arith.select %ne3A_153, %broadcast_in_dim3A_156, %broadcast_in_dim3A_157 : vector<1x3000xi1>, vector<1x3000xf32>
    %slice3A_159 = vector.extract_strided_slice %slice3A {offsets = [7, 0], sizes = [1, 3000], strides = [1, 1]} : vector<16x3000xi32> to vector<1x3000xi32>
    %and3A_160 = arith.constant 65535 : i32
    %and3A_161 = vector.broadcast %and3A_160 : i32 to vector<1x3000xi32>
    %and3A_162 = arith.andi %slice3A_159, %and3A_161 : vector<1x3000xi32>
    %shift_right_logical3A_163 = arith.constant 16 : i32
    %shift_right_logical3A_164 = vector.broadcast %shift_right_logical3A_163 : i32 to vector<1x3000xi32>
    %shift_right_logical3A_165 = arith.shrui %slice3A_159, %shift_right_logical3A_164 : vector<1x3000xi32>
    %ne3A_166 = arith.constant 0 : i32
    %ne3A_167 = vector.broadcast %ne3A_166 : i32 to vector<1x3000xi32>
    %ne3A_168 = arith.cmpi ne, %and3A_162, %ne3A_167 : vector<1x3000xi32>
    %jit3A_169 = arith.constant 1.000000e+00 : f32
    %jit3A_170 = arith.constant 0.000000e+00 : f32
    %broadcast_in_dim3A_171 = vector.broadcast %jit3A_169 : f32 to vector<1x3000xf32>
    %broadcast_in_dim3A_172 = vector.broadcast %jit3A_170 : f32 to vector<1x3000xf32>
    %select_n3A_173 = arith.select %ne3A_168, %broadcast_in_dim3A_171, %broadcast_in_dim3A_172 : vector<1x3000xi1>, vector<1x3000xf32>
    %ne3A_174 = arith.constant 0 : i32
    %ne3A_175 = vector.broadcast %ne3A_174 : i32 to vector<1x3000xi32>
    %ne3A_176 = arith.cmpi ne, %shift_right_logical3A_165, %ne3A_175 : vector<1x3000xi32>
    %jit3A_177 = arith.constant 1.000000e+00 : f32
    %jit3A_178 = arith.constant 0.000000e+00 : f32
    %broadcast_in_dim3A_179 = vector.broadcast %jit3A_177 : f32 to vector<1x3000xf32>
    %broadcast_in_dim3A_180 = vector.broadcast %jit3A_178 : f32 to vector<1x3000xf32>
    %select_n3A_181 = arith.select %ne3A_176, %broadcast_in_dim3A_179, %broadcast_in_dim3A_180 : vector<1x3000xi1>, vector<1x3000xf32>
    %slice3A_182 = vector.extract_strided_slice %slice3A {offsets = [8, 0], sizes = [1, 3000], strides = [1, 1]} : vector<16x3000xi32> to vector<1x3000xi32>
    %and3A_183 = arith.constant 65535 : i32
    %and3A_184 = vector.broadcast %and3A_183 : i32 to vector<1x3000xi32>
    %and3A_185 = arith.andi %slice3A_182, %and3A_184 : vector<1x3000xi32>
    %shift_right_logical3A_186 = arith.constant 16 : i32
    %shift_right_logical3A_187 = vector.broadcast %shift_right_logical3A_186 : i32 to vector<1x3000xi32>
    %shift_right_logical3A_188 = arith.shrui %slice3A_182, %shift_right_logical3A_187 : vector<1x3000xi32>
    %ne3A_189 = arith.constant 0 : i32
    %ne3A_190 = vector.broadcast %ne3A_189 : i32 to vector<1x3000xi32>
    %ne3A_191 = arith.cmpi ne, %and3A_185, %ne3A_190 : vector<1x3000xi32>
    %jit3A_192 = arith.constant 1.000000e+00 : f32
    %jit3A_193 = arith.constant 0.000000e+00 : f32
    %broadcast_in_dim3A_194 = vector.broadcast %jit3A_192 : f32 to vector<1x3000xf32>
    %broadcast_in_dim3A_195 = vector.broadcast %jit3A_193 : f32 to vector<1x3000xf32>
    %select_n3A_196 = arith.select %ne3A_191, %broadcast_in_dim3A_194, %broadcast_in_dim3A_195 : vector<1x3000xi1>, vector<1x3000xf32>
    %ne3A_197 = arith.constant 0 : i32
    %ne3A_198 = vector.broadcast %ne3A_197 : i32 to vector<1x3000xi32>
    %ne3A_199 = arith.cmpi ne, %shift_right_logical3A_188, %ne3A_198 : vector<1x3000xi32>
    %jit3A_200 = arith.constant 1.000000e+00 : f32
    %jit3A_201 = arith.constant 0.000000e+00 : f32
    %broadcast_in_dim3A_202 = vector.broadcast %jit3A_200 : f32 to vector<1x3000xf32>
    %broadcast_in_dim3A_203 = vector.broadcast %jit3A_201 : f32 to vector<1x3000xf32>
    %select_n3A_204 = arith.select %ne3A_199, %broadcast_in_dim3A_202, %broadcast_in_dim3A_203 : vector<1x3000xi1>, vector<1x3000xf32>
    %slice3A_205 = vector.extract_strided_slice %slice3A {offsets = [9, 0], sizes = [1, 3000], strides = [1, 1]} : vector<16x3000xi32> to vector<1x3000xi32>
    %and3A_206 = arith.constant 65535 : i32
    %and3A_207 = vector.broadcast %and3A_206 : i32 to vector<1x3000xi32>
    %and3A_208 = arith.andi %slice3A_205, %and3A_207 : vector<1x3000xi32>
    %shift_right_logical3A_209 = arith.constant 16 : i32
    %shift_right_logical3A_210 = vector.broadcast %shift_right_logical3A_209 : i32 to vector<1x3000xi32>
    %shift_right_logical3A_211 = arith.shrui %slice3A_205, %shift_right_logical3A_210 : vector<1x3000xi32>
    %ne3A_212 = arith.constant 0 : i32
    %ne3A_213 = vector.broadcast %ne3A_212 : i32 to vector<1x3000xi32>
    %ne3A_214 = arith.cmpi ne, %and3A_208, %ne3A_213 : vector<1x3000xi32>
    %jit3A_215 = arith.constant 1.000000e+00 : f32
    %jit3A_216 = arith.constant 0.000000e+00 : f32
    %broadcast_in_dim3A_217 = vector.broadcast %jit3A_215 : f32 to vector<1x3000xf32>
    %broadcast_in_dim3A_218 = vector.broadcast %jit3A_216 : f32 to vector<1x3000xf32>
    %select_n3A_219 = arith.select %ne3A_214, %broadcast_in_dim3A_217, %broadcast_in_dim3A_218 : vector<1x3000xi1>, vector<1x3000xf32>
    %ne3A_220 = arith.constant 0 : i32
    %ne3A_221 = vector.broadcast %ne3A_220 : i32 to vector<1x3000xi32>
    %ne3A_222 = arith.cmpi ne, %shift_right_logical3A_211, %ne3A_221 : vector<1x3000xi32>
    %jit3A_223 = arith.constant 1.000000e+00 : f32
    %jit3A_224 = arith.constant 0.000000e+00 : f32
    %broadcast_in_dim3A_225 = vector.broadcast %jit3A_223 : f32 to vector<1x3000xf32>
    %broadcast_in_dim3A_226 = vector.broadcast %jit3A_224 : f32 to vector<1x3000xf32>
    %select_n3A_227 = arith.select %ne3A_222, %broadcast_in_dim3A_225, %broadcast_in_dim3A_226 : vector<1x3000xi1>, vector<1x3000xf32>
    %slice3A_228 = vector.extract_strided_slice %slice3A {offsets = [10, 0], sizes = [1, 3000], strides = [1, 1]} : vector<16x3000xi32> to vector<1x3000xi32>
    %and3A_229 = arith.constant 65535 : i32
    %and3A_230 = vector.broadcast %and3A_229 : i32 to vector<1x3000xi32>
    %and3A_231 = arith.andi %slice3A_228, %and3A_230 : vector<1x3000xi32>
    %shift_right_logical3A_232 = arith.constant 16 : i32
    %shift_right_logical3A_233 = vector.broadcast %shift_right_logical3A_232 : i32 to vector<1x3000xi32>
    %shift_right_logical3A_234 = arith.shrui %slice3A_228, %shift_right_logical3A_233 : vector<1x3000xi32>
    %ne3A_235 = arith.constant 0 : i32
    %ne3A_236 = vector.broadcast %ne3A_235 : i32 to vector<1x3000xi32>
    %ne3A_237 = arith.cmpi ne, %and3A_231, %ne3A_236 : vector<1x3000xi32>
    %jit3A_238 = arith.constant 1.000000e+00 : f32
    %jit3A_239 = arith.constant 0.000000e+00 : f32
    %broadcast_in_dim3A_240 = vector.broadcast %jit3A_238 : f32 to vector<1x3000xf32>
    %broadcast_in_dim3A_241 = vector.broadcast %jit3A_239 : f32 to vector<1x3000xf32>
    %select_n3A_242 = arith.select %ne3A_237, %broadcast_in_dim3A_240, %broadcast_in_dim3A_241 : vector<1x3000xi1>, vector<1x3000xf32>
    %ne3A_243 = arith.constant 0 : i32
    %ne3A_244 = vector.broadcast %ne3A_243 : i32 to vector<1x3000xi32>
    %ne3A_245 = arith.cmpi ne, %shift_right_logical3A_234, %ne3A_244 : vector<1x3000xi32>
    %jit3A_246 = arith.constant 1.000000e+00 : f32
    %jit3A_247 = arith.constant 0.000000e+00 : f32
    %broadcast_in_dim3A_248 = vector.broadcast %jit3A_246 : f32 to vector<1x3000xf32>
    %broadcast_in_dim3A_249 = vector.broadcast %jit3A_247 : f32 to vector<1x3000xf32>
    %select_n3A_250 = arith.select %ne3A_245, %broadcast_in_dim3A_248, %broadcast_in_dim3A_249 : vector<1x3000xi1>, vector<1x3000xf32>
    %slice3A_251 = vector.extract_strided_slice %slice3A {offsets = [11, 0], sizes = [1, 3000], strides = [1, 1]} : vector<16x3000xi32> to vector<1x3000xi32>
    %and3A_252 = arith.constant 65535 : i32
    %and3A_253 = vector.broadcast %and3A_252 : i32 to vector<1x3000xi32>
    %and3A_254 = arith.andi %slice3A_251, %and3A_253 : vector<1x3000xi32>
    %shift_right_logical3A_255 = arith.constant 16 : i32
    %shift_right_logical3A_256 = vector.broadcast %shift_right_logical3A_255 : i32 to vector<1x3000xi32>
    %shift_right_logical3A_257 = arith.shrui %slice3A_251, %shift_right_logical3A_256 : vector<1x3000xi32>
    %ne3A_258 = arith.constant 0 : i32
    %ne3A_259 = vector.broadcast %ne3A_258 : i32 to vector<1x3000xi32>
    %ne3A_260 = arith.cmpi ne, %and3A_254, %ne3A_259 : vector<1x3000xi32>
    %jit3A_261 = arith.constant 1.000000e+00 : f32
    %jit3A_262 = arith.constant 0.000000e+00 : f32
    %broadcast_in_dim3A_263 = vector.broadcast %jit3A_261 : f32 to vector<1x3000xf32>
    %broadcast_in_dim3A_264 = vector.broadcast %jit3A_262 : f32 to vector<1x3000xf32>
    %select_n3A_265 = arith.select %ne3A_260, %broadcast_in_dim3A_263, %broadcast_in_dim3A_264 : vector<1x3000xi1>, vector<1x3000xf32>
    %ne3A_266 = arith.constant 0 : i32
    %ne3A_267 = vector.broadcast %ne3A_266 : i32 to vector<1x3000xi32>
    %ne3A_268 = arith.cmpi ne, %shift_right_logical3A_257, %ne3A_267 : vector<1x3000xi32>
    %jit3A_269 = arith.constant 1.000000e+00 : f32
    %jit3A_270 = arith.constant 0.000000e+00 : f32
    %broadcast_in_dim3A_271 = vector.broadcast %jit3A_269 : f32 to vector<1x3000xf32>
    %broadcast_in_dim3A_272 = vector.broadcast %jit3A_270 : f32 to vector<1x3000xf32>
    %select_n3A_273 = arith.select %ne3A_268, %broadcast_in_dim3A_271, %broadcast_in_dim3A_272 : vector<1x3000xi1>, vector<1x3000xf32>
    %slice3A_274 = vector.extract_strided_slice %slice3A {offsets = [12, 0], sizes = [1, 3000], strides = [1, 1]} : vector<16x3000xi32> to vector<1x3000xi32>
    %and3A_275 = arith.constant 65535 : i32
    %and3A_276 = vector.broadcast %and3A_275 : i32 to vector<1x3000xi32>
    %and3A_277 = arith.andi %slice3A_274, %and3A_276 : vector<1x3000xi32>
    %shift_right_logical3A_278 = arith.constant 16 : i32
    %shift_right_logical3A_279 = vector.broadcast %shift_right_logical3A_278 : i32 to vector<1x3000xi32>
    %shift_right_logical3A_280 = arith.shrui %slice3A_274, %shift_right_logical3A_279 : vector<1x3000xi32>
    %ne3A_281 = arith.constant 0 : i32
    %ne3A_282 = vector.broadcast %ne3A_281 : i32 to vector<1x3000xi32>
    %ne3A_283 = arith.cmpi ne, %and3A_277, %ne3A_282 : vector<1x3000xi32>
    %jit3A_284 = arith.constant 1.000000e+00 : f32
    %jit3A_285 = arith.constant 0.000000e+00 : f32
    %broadcast_in_dim3A_286 = vector.broadcast %jit3A_284 : f32 to vector<1x3000xf32>
    %broadcast_in_dim3A_287 = vector.broadcast %jit3A_285 : f32 to vector<1x3000xf32>
    %select_n3A_288 = arith.select %ne3A_283, %broadcast_in_dim3A_286, %broadcast_in_dim3A_287 : vector<1x3000xi1>, vector<1x3000xf32>
    %ne3A_289 = arith.constant 0 : i32
    %ne3A_290 = vector.broadcast %ne3A_289 : i32 to vector<1x3000xi32>
    %ne3A_291 = arith.cmpi ne, %shift_right_logical3A_280, %ne3A_290 : vector<1x3000xi32>
    %jit3A_292 = arith.constant 1.000000e+00 : f32
    %jit3A_293 = arith.constant 0.000000e+00 : f32
    %broadcast_in_dim3A_294 = vector.broadcast %jit3A_292 : f32 to vector<1x3000xf32>
    %broadcast_in_dim3A_295 = vector.broadcast %jit3A_293 : f32 to vector<1x3000xf32>
    %select_n3A_296 = arith.select %ne3A_291, %broadcast_in_dim3A_294, %broadcast_in_dim3A_295 : vector<1x3000xi1>, vector<1x3000xf32>
    %slice3A_297 = vector.extract_strided_slice %slice3A {offsets = [13, 0], sizes = [1, 3000], strides = [1, 1]} : vector<16x3000xi32> to vector<1x3000xi32>
    %and3A_298 = arith.constant 65535 : i32
    %and3A_299 = vector.broadcast %and3A_298 : i32 to vector<1x3000xi32>
    %and3A_300 = arith.andi %slice3A_297, %and3A_299 : vector<1x3000xi32>
    %shift_right_logical3A_301 = arith.constant 16 : i32
    %shift_right_logical3A_302 = vector.broadcast %shift_right_logical3A_301 : i32 to vector<1x3000xi32>
    %shift_right_logical3A_303 = arith.shrui %slice3A_297, %shift_right_logical3A_302 : vector<1x3000xi32>
    %ne3A_304 = arith.constant 0 : i32
    %ne3A_305 = vector.broadcast %ne3A_304 : i32 to vector<1x3000xi32>
    %ne3A_306 = arith.cmpi ne, %and3A_300, %ne3A_305 : vector<1x3000xi32>
    %jit3A_307 = arith.constant 1.000000e+00 : f32
    %jit3A_308 = arith.constant 0.000000e+00 : f32
    %broadcast_in_dim3A_309 = vector.broadcast %jit3A_307 : f32 to vector<1x3000xf32>
    %broadcast_in_dim3A_310 = vector.broadcast %jit3A_308 : f32 to vector<1x3000xf32>
    %select_n3A_311 = arith.select %ne3A_306, %broadcast_in_dim3A_309, %broadcast_in_dim3A_310 : vector<1x3000xi1>, vector<1x3000xf32>
    %ne3A_312 = arith.constant 0 : i32
    %ne3A_313 = vector.broadcast %ne3A_312 : i32 to vector<1x3000xi32>
    %ne3A_314 = arith.cmpi ne, %shift_right_logical3A_303, %ne3A_313 : vector<1x3000xi32>
    %jit3A_315 = arith.constant 1.000000e+00 : f32
    %jit3A_316 = arith.constant 0.000000e+00 : f32
    %broadcast_in_dim3A_317 = vector.broadcast %jit3A_315 : f32 to vector<1x3000xf32>
    %broadcast_in_dim3A_318 = vector.broadcast %jit3A_316 : f32 to vector<1x3000xf32>
    %select_n3A_319 = arith.select %ne3A_314, %broadcast_in_dim3A_317, %broadcast_in_dim3A_318 : vector<1x3000xi1>, vector<1x3000xf32>
    %slice3A_320 = vector.extract_strided_slice %slice3A {offsets = [14, 0], sizes = [1, 3000], strides = [1, 1]} : vector<16x3000xi32> to vector<1x3000xi32>
    %and3A_321 = arith.constant 65535 : i32
    %and3A_322 = vector.broadcast %and3A_321 : i32 to vector<1x3000xi32>
    %and3A_323 = arith.andi %slice3A_320, %and3A_322 : vector<1x3000xi32>
    %shift_right_logical3A_324 = arith.constant 16 : i32
    %shift_right_logical3A_325 = vector.broadcast %shift_right_logical3A_324 : i32 to vector<1x3000xi32>
    %shift_right_logical3A_326 = arith.shrui %slice3A_320, %shift_right_logical3A_325 : vector<1x3000xi32>
    %ne3A_327 = arith.constant 0 : i32
    %ne3A_328 = vector.broadcast %ne3A_327 : i32 to vector<1x3000xi32>
    %ne3A_329 = arith.cmpi ne, %and3A_323, %ne3A_328 : vector<1x3000xi32>
    %jit3A_330 = arith.constant 1.000000e+00 : f32
    %jit3A_331 = arith.constant 0.000000e+00 : f32
    %broadcast_in_dim3A_332 = vector.broadcast %jit3A_330 : f32 to vector<1x3000xf32>
    %broadcast_in_dim3A_333 = vector.broadcast %jit3A_331 : f32 to vector<1x3000xf32>
    %select_n3A_334 = arith.select %ne3A_329, %broadcast_in_dim3A_332, %broadcast_in_dim3A_333 : vector<1x3000xi1>, vector<1x3000xf32>
    %ne3A_335 = arith.constant 0 : i32
    %ne3A_336 = vector.broadcast %ne3A_335 : i32 to vector<1x3000xi32>
    %ne3A_337 = arith.cmpi ne, %shift_right_logical3A_326, %ne3A_336 : vector<1x3000xi32>
    %jit3A_338 = arith.constant 1.000000e+00 : f32
    %jit3A_339 = arith.constant 0.000000e+00 : f32
    %broadcast_in_dim3A_340 = vector.broadcast %jit3A_338 : f32 to vector<1x3000xf32>
    %broadcast_in_dim3A_341 = vector.broadcast %jit3A_339 : f32 to vector<1x3000xf32>
    %select_n3A_342 = arith.select %ne3A_337, %broadcast_in_dim3A_340, %broadcast_in_dim3A_341 : vector<1x3000xi1>, vector<1x3000xf32>
    %slice3A_343 = vector.extract_strided_slice %slice3A {offsets = [15, 0], sizes = [1, 3000], strides = [1, 1]} : vector<16x3000xi32> to vector<1x3000xi32>
    %and3A_344 = arith.constant 65535 : i32
    %and3A_345 = vector.broadcast %and3A_344 : i32 to vector<1x3000xi32>
    %and3A_346 = arith.andi %slice3A_343, %and3A_345 : vector<1x3000xi32>
    %shift_right_logical3A_347 = arith.constant 16 : i32
    %shift_right_logical3A_348 = vector.broadcast %shift_right_logical3A_347 : i32 to vector<1x3000xi32>
    %shift_right_logical3A_349 = arith.shrui %slice3A_343, %shift_right_logical3A_348 : vector<1x3000xi32>
    %ne3A_350 = arith.constant 0 : i32
    %ne3A_351 = vector.broadcast %ne3A_350 : i32 to vector<1x3000xi32>
    %ne3A_352 = arith.cmpi ne, %and3A_346, %ne3A_351 : vector<1x3000xi32>
    %jit3A_353 = arith.constant 1.000000e+00 : f32
    %jit3A_354 = arith.constant 0.000000e+00 : f32
    %broadcast_in_dim3A_355 = vector.broadcast %jit3A_353 : f32 to vector<1x3000xf32>
    %broadcast_in_dim3A_356 = vector.broadcast %jit3A_354 : f32 to vector<1x3000xf32>
    %select_n3A_357 = arith.select %ne3A_352, %broadcast_in_dim3A_355, %broadcast_in_dim3A_356 : vector<1x3000xi1>, vector<1x3000xf32>
    %ne3A_358 = arith.constant 0 : i32
    %ne3A_359 = vector.broadcast %ne3A_358 : i32 to vector<1x3000xi32>
    %ne3A_360 = arith.cmpi ne, %shift_right_logical3A_349, %ne3A_359 : vector<1x3000xi32>
    %jit3A_361 = arith.constant 1.000000e+00 : f32
    %jit3A_362 = arith.constant 0.000000e+00 : f32
    %broadcast_in_dim3A_363 = vector.broadcast %jit3A_361 : f32 to vector<1x3000xf32>
    %broadcast_in_dim3A_364 = vector.broadcast %jit3A_362 : f32 to vector<1x3000xf32>
    %select_n3A_365 = arith.select %ne3A_360, %broadcast_in_dim3A_363, %broadcast_in_dim3A_364 : vector<1x3000xi1>, vector<1x3000xf32>
    %concatenate3A = tpu.concatenate %select_n3A, %select_n3A_20, %select_n3A_35, %select_n3A_43, %select_n3A_58, %select_n3A_66, %select_n3A_81, %select_n3A_89, %select_n3A_104, %select_n3A_112, %select_n3A_127, %select_n3A_135, %select_n3A_150, %select_n3A_158, %select_n3A_173, %select_n3A_181, %select_n3A_196, %select_n3A_204, %select_n3A_219, %select_n3A_227, %select_n3A_242, %select_n3A_250, %select_n3A_265, %select_n3A_273, %select_n3A_288, %select_n3A_296, %select_n3A_311, %select_n3A_319, %select_n3A_334, %select_n3A_342, %select_n3A_357, %select_n3A_365 in 0 : vector<1x3000xf32>, vector<1x3000xf32>, vector<1x3000xf32>, vector<1x3000xf32>, vector<1x3000xf32>, vector<1x3000xf32>, vector<1x3000xf32>, vector<1x3000xf32>, vector<1x3000xf32>, vector<1x3000xf32>, vector<1x3000xf32>, vector<1x3000xf32>, vector<1x3000xf32>, vector<1x3000xf32>, vector<1x3000xf32>, vector<1x3000xf32>, vector<1x3000xf32>, vector<1x3000xf32>, vector<1x3000xf32>, vector<1x3000xf32>, vector<1x3000xf32>, vector<1x3000xf32>, vector<1x3000xf32>, vector<1x3000xf32>, vector<1x3000xf32>, vector<1x3000xf32>, vector<1x3000xf32>, vector<1x3000xf32>, vector<1x3000xf32>, vector<1x3000xf32>, vector<1x3000xf32>, vector<1x3000xf32> -> vector<32x3000xf32>
    %get3A_366 = arith.constant 0 : index
    %get3A_367 = arith.constant 0 : index
    %get3A_368 = arith.constant 0 : index
    %get3A_369 = vector.load %arg3[%get3A_366, %get3A_367, %get3A_368] : memref<1x3000x1xf32, #tpu.memory_space<vmem>>, vector<1x3000x1xf32>
    %get3A_370 = vector.shape_cast %get3A_369 : vector<1x3000x1xf32> to vector<3000x1xf32>
    %get3A_371 = arith.constant 0 : index
    %get3A_372 = arith.constant 0 : index
    %get3A_373 = arith.constant 0 : index
    %get3A_374 = vector.load %arg3[%get3A_371, %get3A_372, %get3A_373] : memref<1x3000x1xf32, #tpu.memory_space<vmem>>, vector<1x3000x1xf32>
    %get3A_375 = vector.shape_cast %get3A_374 : vector<1x3000x1xf32> to vector<3000x1xf32>
    %get3A_376 = arith.constant 0 : index
    %get3A_377 = arith.constant 0 : index
    %get3A_378 = arith.constant 0 : index
    %get3A_379 = vector.load %arg4[%get3A_376, %get3A_377, %get3A_378] : memref<1x3000x1xf32, #tpu.memory_space<vmem>>, vector<1x3000x1xf32>
    %get3A_380 = vector.shape_cast %get3A_379 : vector<1x3000x1xf32> to vector<3000x1xf32>
    %add3A = arith.addf %get3A_375, %get3A_380 : vector<3000x1xf32>
    %add3A_381 = arith.constant 9.99999997E-7 : f32
    %add3A_382 = vector.broadcast %add3A_381 : f32 to vector<3000x1xf32>
    %add3A_383 = arith.addf %add3A, %add3A_382 : vector<3000x1xf32>
    %div3A = arith.divf %get3A_370, %add3A_383 : vector<3000x1xf32>
    %get3A_384 = arith.constant 0 : index
    %get3A_385 = arith.constant 0 : index
    %get3A_386 = arith.constant 0 : index
    %get3A_387 = vector.load %arg2[%get3A_384, %get3A_385, %get3A_386] : memref<1x3000x64xf32, #tpu.memory_space<vmem>>, vector<1x3000x64xf32>
    %get3A_388 = vector.shape_cast %get3A_387 : vector<1x3000x64xf32> to vector<3000x64xf32>
    %get3A_389 = arith.constant 0 : index
    %get3A_390 = arith.constant 0 : index
    %get3A_391 = arith.constant 0 : index
    %get3A_392 = vector.load %arg8[%get3A_389, %get3A_390, %get3A_391] : memref<1x65x64xf32, #tpu.memory_space<vmem>>, vector<1x65x64xf32>
    %get3A_393 = vector.shape_cast %get3A_392 : vector<1x65x64xf32> to vector<65x64xf32>
    %get3A_394 = arith.constant 0 : index
    %get3A_395 = arith.constant 0 : index
    %get3A_396 = arith.constant 0 : index
    %get3A_397 = vector.load %arg10[%get3A_394, %get3A_395, %get3A_396] : memref<1x65x65xf32, #tpu.memory_space<vmem>>, vector<1x65x65xf32>
    %get3A_398 = vector.shape_cast %get3A_397 : vector<1x65x65xf32> to vector<65x65xf32>
    %slice3A_399 = vector.extract_strided_slice %get3A_393 {offsets = [0, 0], sizes = [64, 64], strides = [1, 1]} : vector<65x64xf32> to vector<64x64xf32>
    %dot_general3A = arith.constant dense<0.000000e+00> : vector<3000x64xf32>
    %dot_general3A_400 = tpu.matmul %get3A_388, %slice3A_399, %dot_general3A {dimension_numbers = #tpu.dot_dimension_numbers<[1], [0], [0], [1], [0, 0, 1, 1], [], []>, transpose_lhs_hint = false} : vector<3000x64xf32>, vector<64x64xf32>, vector<3000x64xf32> -> vector<3000x64xf32>
    %slice3A_401 = vector.extract_strided_slice %get3A_393 {offsets = [64, 0], sizes = [1, 64], strides = [1, 1]} : vector<65x64xf32> to vector<1x64xf32>
    %mul3A = vector.broadcast %div3A : vector<3000x1xf32> to vector<3000x64xf32>
    %mul3A_402 = vector.broadcast %slice3A_401 : vector<1x64xf32> to vector<3000x64xf32>
    %mul3A_403 = arith.mulf %mul3A, %mul3A_402 : vector<3000x64xf32>
    %add3A_404 = arith.addf %dot_general3A_400, %mul3A_403 : vector<3000x64xf32>
    %slice3A_405 = vector.extract_strided_slice %get3A_398 {offsets = [0, 0], sizes = [64, 65], strides = [1, 1]} : vector<65x65xf32> to vector<64x65xf32>
    %dot_general3A_406 = arith.constant dense<0.000000e+00> : vector<3000x65xf32>
    %dot_general3A_407 = tpu.matmul %get3A_388, %slice3A_405, %dot_general3A_406 {dimension_numbers = #tpu.dot_dimension_numbers<[1], [0], [0], [1], [0, 0, 1, 1], [], []>, transpose_lhs_hint = false} : vector<3000x64xf32>, vector<64x65xf32>, vector<3000x65xf32> -> vector<3000x65xf32>
    %slice3A_408 = vector.extract_strided_slice %get3A_398 {offsets = [64, 0], sizes = [1, 65], strides = [1, 1]} : vector<65x65xf32> to vector<1x65xf32>
    %mul3A_409 = vector.broadcast %div3A : vector<3000x1xf32> to vector<3000x65xf32>
    %mul3A_410 = vector.broadcast %slice3A_408 : vector<1x65xf32> to vector<3000x65xf32>
    %mul3A_411 = arith.mulf %mul3A_409, %mul3A_410 : vector<3000x65xf32>
    %add3A_412 = arith.addf %dot_general3A_407, %mul3A_411 : vector<3000x65xf32>
    %get3A_413 = arith.constant 0 : index
    %get3A_414 = arith.constant 0 : index
    %get3A_415 = arith.constant 0 : index
    %get3A_416 = vector.load %arg5[%get3A_413, %get3A_414, %get3A_415] : memref<1x32x64xf32, #tpu.memory_space<vmem>>, vector<1x32x64xf32>
    %get3A_417 = vector.shape_cast %get3A_416 : vector<1x32x64xf32> to vector<32x64xf32>
    %get3A_418 = arith.constant 0 : index
    %get3A_419 = arith.constant 0 : index
    %get3A_420 = arith.constant 0 : index
    %get3A_421 = vector.load %arg6[%get3A_418, %get3A_419, %get3A_420] : memref<1x64x64xf32, #tpu.memory_space<vmem>>, vector<1x64x64xf32>
    %get3A_422 = vector.shape_cast %get3A_421 : vector<1x64x64xf32> to vector<64x64xf32>
    %dot_general3A_423 = arith.constant dense<0.000000e+00> : vector<32x64xf32>
    %dot_general3A_424 = tpu.matmul %get3A_417, %get3A_422, %dot_general3A_423 {dimension_numbers = #tpu.dot_dimension_numbers<[1], [1], [0], [0], [0, 0, 1, 0], [], []>, transpose_lhs_hint = false} : vector<32x64xf32>, vector<64x64xf32>, vector<32x64xf32> -> vector<32x64xf32>
    %get3A_425 = arith.constant 0 : index
    %get3A_426 = arith.constant 0 : index
    %get3A_427 = arith.constant 0 : index
    %get3A_428 = vector.load %arg7[%get3A_425, %get3A_426, %get3A_427] : memref<1x1x64xf32, #tpu.memory_space<vmem>>, vector<1x1x64xf32>
    %get3A_429 = vector.shape_cast %get3A_428 : vector<1x1x64xf32> to vector<1x64xf32>
    %add3A_430 = vector.broadcast %get3A_429 : vector<1x64xf32> to vector<32x64xf32>
    %add3A_431 = arith.addf %dot_general3A_424, %add3A_430 : vector<32x64xf32>
    %get3A_432 = arith.constant 0 : index
    %get3A_433 = arith.constant 0 : index
    %get3A_434 = arith.constant 0 : index
    %get3A_435 = vector.load %arg9[%get3A_432, %get3A_433, %get3A_434] : memref<1x1x64xf32, #tpu.memory_space<vmem>>, vector<1x1x64xf32>
    %get3A_436 = vector.shape_cast %get3A_435 : vector<1x1x64xf32> to vector<1x64xf32>
    %mul3A_437 = vector.broadcast %get3A_436 : vector<1x64xf32> to vector<32x64xf32>
    %mul3A_438 = arith.mulf %add3A_431, %mul3A_437 : vector<32x64xf32>
    %reduce_sum3A = arith.constant dense<0.000000e+00> : vector<32xf32>
    %reduce_sum3A_439 = vector.multi_reduction <add>, %mul3A_438, %reduce_sum3A [1] : vector<32x64xf32> to vector<32xf32>
    %broadcast_in_dim3A_440 = vector.shape_cast %reduce_sum3A_439 : vector<32xf32> to vector<32x1xf32>
    %dot_general3A_441 = arith.constant dense<0.000000e+00> : vector<32x3000xf32>
    %dot_general3A_442 = tpu.matmul %add3A_431, %add3A_404, %dot_general3A_441 {dimension_numbers = #tpu.dot_dimension_numbers<[1], [1], [0], [0], [0, 0, 1, 0], [], []>, transpose_lhs_hint = false} : vector<32x64xf32>, vector<3000x64xf32>, vector<32x3000xf32> -> vector<32x3000xf32>
    %mul3A_443 = arith.mulf %concatenate3A, %dot_general3A_442 : vector<32x3000xf32>
    %add3A_444 = vector.broadcast %broadcast_in_dim3A_440 : vector<32x1xf32> to vector<32x3000xf32>
    %add3A_445 = arith.addf %mul3A_443, %add3A_444 : vector<32x3000xf32>
    %sub3A = arith.constant 1.000000e+00 : f32
    %sub3A_446 = vector.broadcast %sub3A : f32 to vector<32x3000xf32>
    %sub3A_447 = arith.subf %sub3A_446, %concatenate3A : vector<32x3000xf32>
    %mul3A_448 = arith.constant 1.000000e+07 : f32
    %mul3A_449 = vector.broadcast %mul3A_448 : f32 to vector<32x3000xf32>
    %mul3A_450 = arith.mulf %sub3A_447, %mul3A_449 : vector<32x3000xf32>
    %sub3A_451 = arith.subf %add3A_445, %mul3A_450 : vector<32x3000xf32>
    %reduce_max3A = arith.constant dense<0xFF800000> : vector<32xf32>
    %reduce_max3A_452 = vector.multi_reduction <maximumf>, %sub3A_451, %reduce_max3A [1] : vector<32x3000xf32> to vector<32xf32>
    %broadcast_in_dim3A_453 = vector.shape_cast %reduce_max3A_452 : vector<32xf32> to vector<32x1xf32>
    %sub3A_454 = vector.broadcast %broadcast_in_dim3A_453 : vector<32x1xf32> to vector<32x3000xf32>
    %sub3A_455 = arith.subf %sub3A_451, %sub3A_454 : vector<32x3000xf32>
    %exp3A = math.exp %sub3A_455 : vector<32x3000xf32>
    %reduce_sum3A_456 = arith.constant dense<0.000000e+00> : vector<32xf32>
    %reduce_sum3A_457 = vector.multi_reduction <add>, %exp3A, %reduce_sum3A_456 [1] : vector<32x3000xf32> to vector<32xf32>
    %broadcast_in_dim3A_458 = vector.shape_cast %reduce_sum3A_457 : vector<32xf32> to vector<32x1xf32>
    %div3A_459 = vector.broadcast %broadcast_in_dim3A_458 : vector<32x1xf32> to vector<32x3000xf32>
    %div3A_460 = arith.divf %exp3A, %div3A_459 : vector<32x3000xf32>
    %mul3A_461 = arith.mulf %div3A_460, %concatenate3A : vector<32x3000xf32>
    %dot_general3A_462 = arith.constant dense<0.000000e+00> : vector<32x65xf32>
    %dot_general3A_463 = tpu.matmul %mul3A_461, %add3A_412, %dot_general3A_462 {dimension_numbers = #tpu.dot_dimension_numbers<[1], [0], [0], [1], [0, 0, 1, 1], [], []>, transpose_lhs_hint = false} : vector<32x3000xf32>, vector<3000x65xf32>, vector<32x65xf32> -> vector<32x65xf32>
    %get3A_464 = arith.constant 0 : index
    %get3A_465 = arith.constant 0 : index
    %get3A_466 = arith.constant 0 : index
    %get3A_467 = vector.load %arg11[%get3A_464, %get3A_465, %get3A_466] : memref<1x1x65xf32, #tpu.memory_space<vmem>>, vector<1x1x65xf32>
    %get3A_468 = vector.shape_cast %get3A_467 : vector<1x1x65xf32> to vector<1x65xf32>
    %add3A_469 = vector.broadcast %get3A_468 : vector<1x65xf32> to vector<32x65xf32>
    %add3A_470 = arith.addf %dot_general3A_463, %add3A_469 : vector<32x65xf32>
    %get3A_471 = arith.constant 0 : index
    %get3A_472 = arith.constant 0 : index
    %get3A_473 = arith.constant 0 : index
    %get3A_474 = vector.load %arg12[%get3A_471, %get3A_472, %get3A_473] : memref<1x2x65xf32, #tpu.memory_space<vmem>>, vector<1x2x65xf32>
    %get3A_475 = vector.shape_cast %get3A_474 : vector<1x2x65xf32> to vector<2x65xf32>
    %dot_general3A_476 = arith.constant dense<0.000000e+00> : vector<32x2xf32>
    %dot_general3A_477 = tpu.matmul %add3A_470, %get3A_475, %dot_general3A_476 {dimension_numbers = #tpu.dot_dimension_numbers<[1], [1], [0], [0], [0, 0, 1, 0], [], []>, transpose_lhs_hint = false} : vector<32x65xf32>, vector<2x65xf32>, vector<32x2xf32> -> vector<32x2xf32>
    %eq3A = arith.constant 0 : i32
    %eq3A_478 = arith.cmpi eq, %arg0, %eq3A : i32
    %convert_element_type3A = arith.extui %eq3A_478 : i1 to i32
    %cond3A = arith.constant 0 : i32
    %cond3A_479 = arith.cmpi ne, %convert_element_type3A, %cond3A : i32
    scf.if %cond3A_479 {
      %broadcast_in_dim3A_486 = arith.constant 0.000000e+00 : f32
      %broadcast_in_dim3A_487 = vector.broadcast %broadcast_in_dim3A_486 : f32 to vector<32x2xf32>
      %swap3A_488 = arith.constant 0 : index
      %swap3A_489 = arith.constant 0 : index
      %swap3A_490 = vector.load %arg13[%swap3A_488, %swap3A_489] : memref<32x2xf32, #tpu.memory_space<vmem>>, vector<32x2xf32>
      tpu.vector_store %arg13[%swap3A_488, %swap3A_489], %broadcast_in_dim3A_487 {strides = array<i32>} : memref<32x2xf32, #tpu.memory_space<vmem>>, vector<32x2xf32>,
    } else {
    }
    %get3A_480 = arith.constant 0 : index
    %get3A_481 = arith.constant 0 : index
    %get3A_482 = vector.load %arg13[%get3A_480, %get3A_481] : memref<32x2xf32, #tpu.memory_space<vmem>>, vector<32x2xf32>
    %add3A_483 = arith.addf %get3A_482, %dot_general3A_477 : vector<32x2xf32>
    %swap3A = arith.constant 0 : index
    %swap3A_484 = arith.constant 0 : index
    %swap3A_485 = vector.load %arg13[%swap3A, %swap3A_484] : memref<32x2xf32, #tpu.memory_space<vmem>>, vector<32x2xf32>
    tpu.vector_store %arg13[%swap3A, %swap3A_484], %add3A_483 {strides = array<i32>} : memref<32x2xf32, #tpu.memory_space<vmem>>, vector<32x2xf32>,
    return
  }
  func.func @transform_0(%arg0: i32) -> (i32, i32, i32) {
    %c0_i32 = arith.constant 0 : i32
    %c0_i32_0 = arith.constant 0 : i32
    %c0_i32_1 = arith.constant 0 : i32
    return %arg0, %c0_i32, %c0_i32_0 : i32, i32, i32
  }
  func.func @transform_1(%arg0: i32) -> (i32, i32, i32) {
    %c0_i32 = arith.constant 0 : i32
    %c0_i32_0 = arith.constant 0 : i32
    %c0_i32_1 = arith.constant 0 : i32
    return %arg0, %c0_i32, %c0_i32_0 : i32, i32, i32
  }
  func.func @transform_2(%arg0: i32) -> (i32, i32, i32) {
    %c0_i32 = arith.constant 0 : i32
    %c0_i32_0 = arith.constant 0 : i32
    %c0_i32_1 = arith.constant 0 : i32
    return %arg0, %c0_i32, %c0_i32_0 : i32, i32, i32
  }
  func.func @transform_3(%arg0: i32) -> (i32, i32, i32) {
    %c0_i32 = arith.constant 0 : i32
    %c0_i32_0 = arith.constant 0 : i32
    %c0_i32_1 = arith.constant 0 : i32
    return %arg0, %c0_i32, %c0_i32_0 : i32, i32, i32
  }
  func.func @transform_4(%arg0: i32) -> (i32, i32, i32) {
    %c0_i32 = arith.constant 0 : i32
    %c0_i32_0 = arith.constant 0 : i32
    %c0_i32_1 = arith.constant 0 : i32
    return %arg0, %c0_i32, %c0_i32_0 : i32, i32, i32
  }
  func.func @transform_5(%arg0: i32) -> (i32, i32, i32) {
    %c0_i32 = arith.constant 0 : i32
    %c0_i32_0 = arith.constant 0 : i32
    %c0_i32_1 = arith.constant 0 : i32
    return %arg0, %c0_i32, %c0_i32_0 : i32, i32, i32
  }
  func.func @transform_6(%arg0: i32) -> (i32, i32, i32) {
    %c0_i32 = arith.constant 0 : i32
    %c0_i32_0 = arith.constant 0 : i32
    %c0_i32_1 = arith.constant 0 : i32
    return %arg0, %c0_i32, %c0_i32_0 : i32, i32, i32
  }
  func.func @transform_7(%arg0: i32) -> (i32, i32, i32) {
    %c0_i32 = arith.constant 0 : i32
    %c0_i32_0 = arith.constant 0 : i32
    %c0_i32_1 = arith.constant 0 : i32
    return %arg0, %c0_i32, %c0_i32_0 : i32, i32, i32
  }
  func.func @transform_8(%arg0: i32) -> (i32, i32, i32) {
    %c0_i32 = arith.constant 0 : i32
    %c0_i32_0 = arith.constant 0 : i32
    %c0_i32_1 = arith.constant 0 : i32
    return %arg0, %c0_i32, %c0_i32_0 : i32, i32, i32
  }
  func.func @transform_9(%arg0: i32) -> (i32, i32, i32) {
    %c0_i32 = arith.constant 0 : i32
    %c0_i32_0 = arith.constant 0 : i32
    %c0_i32_1 = arith.constant 0 : i32
    return %arg0, %c0_i32, %c0_i32_0 : i32, i32, i32
  }
  func.func @transform_10(%arg0: i32) -> (i32, i32, i32) {
    %c0_i32 = arith.constant 0 : i32
    %c0_i32_0 = arith.constant 0 : i32
    %c0_i32_1 = arith.constant 0 : i32
    return %arg0, %c0_i32, %c0_i32_0 : i32, i32, i32
  }
  func.func @transform_11(%arg0: i32) -> (i32, i32, i32) {
    %c0_i32 = arith.constant 0 : i32
    %c0_i32_0 = arith.constant 0 : i32
    %c0_i32_1 = arith.constant 0 : i32
    return %arg0, %c0_i32, %c0_i32_0 : i32, i32, i32
  }
  func.func @transform_12(%arg0: i32) -> (i32, i32) {
    %c0_i32 = arith.constant 0 : i32
    %c0_i32_0 = arith.constant 0 : i32
    %c0_i32_1 = arith.constant 0 : i32
    return %c0_i32, %c0_i32_0 : i32, i32
  }
}

</mosaic_0001>

<sc_bundles>
// kernel: kernel.5.cloned.1.call-start
scs
__scs_entry_jumppad:
0x0: {  	(pc) =	sbr.rel $0x88, $3  }
0x1: {  	(tag) =	ssettag $0x0;
	lr =	simm.s32 $0x1  }
0x2: {  	[smem:$0x3F93] =	sst lr;
	_ =	strace $0xD0000000  }
0x3: {  	_ = 	snop  }
0x4: {  	_ = 	snop  }
0x5: {  	_ = 	snop  }
0x6: {  	_ = 	snop  }
0x7: {  	_ = 	snop  }
__scs_overlays_trampoline_lowered:
0x8: {  	[smem:$0x3FA2] =	sst s0  }
0x9: {  	[smem:$0x3FA3] =	sst s1  }
0xa: {  	[smem:$0x3FA4] =	sst s2  }
0xb: {  	[smem:$0x3FA5] =	sst s3  }
0xc: {  	[smem:$0x3FA6] =	sst s4  }
0xd: {  	[smem:$0x3FA7] =	sst s5  }
0xe: {  	[smem:$0x3FA8] =	sst s6  }
0xf: {  	[smem:$0x3FA9] =	sst s7  }
0x10: {  	[smem:$0x3FAA] =	sst s8  }
0x11: {  	[smem:$0x3FAB] =	sst s9;
	s0 =	simm.s32 @!p0 $0x0  }
0x12: {  	s1 =	sld [smem:$0x3F91];
	s0 =	simm.s32 @p0 $0x1  }
0x13: {  	[smem:$0x3FAC] =	sst s0;
	s0 =	simm.s32 @!p1 $0x0  }
0x14: {  	s2 =	sld [smem:$0x3F90];
	s0 =	simm.s32 @p1 $0x1  }
0x15: {  	[smem:$0x3FAD] =	sst s0;
	s0 =	simm.s32 @!p2 $0x0  }
0x16: {  	s3 =	sld [smem:$0x3FDB];
	s0 =	simm.s32 @p2 $0x1  }
0x17: {  	s4 =	simm.s32 $0x1BF5;
	[smem:$0x3FAF] =	sst s0  }
0x18: {  	s0 =	sld [smem:$0x3F92];
	_ =	swait.ge [sflag:s4], $0x0  }
0x19: {  	s7 =	sld [smem:$0x3F93]  }
0x1a: {  	s8 =	sadd.s32 $0xFFFFE003, lr  }
0x1b: {  	s9 =	sadd.s32 $0xFFFFFEF7, lr;
	s5 =	simm.s32 $0xFFFFFFFF;
	p2 =	slt.u32 s8, $0xFFFFF086  }
0x1c: {  	p1 =	slt.u32 s9, $0xF7A;
	s5 =	simm.s32 @!p2 $0x0  }
0x1d: {  	s5 =	simm.s32 @p1 $0x1;
	p0 =	seq.s32 s7, s2  }
0x1e: {  	s7 =	smul.u32 @!p0 $0xF7A, s2;
	p2 =	seq.s32 @!p0 s5, $0x0  }
0x1f: {  	s9 =	smul.u32 $0xF7A, s1;
	s8 =	simm.s32 @!p0 $0x1BF5;
	p2 =	por !p2, p0  }
0x20: {  	[sflag:s8] =	ssyncset.s32 @!p0 $0xFFFFF086;
	s6 =	sadd.s32 @!p0 s3, s7;
	s7 =	simm.s32 @!p0 $0x108  }
0x21: {  	s3 =	sadd.s32 s3, s9;
	s6 =	sadd.s32 @!p0 $0x88, s6;
	s7 =	simm.s32 @p2 $0x1082  }
0x22: {  	[simem:s7], [sflag:s8] =	dma.local @!p0 [hbm:s6], $0xF7A  }
0x23: {  	s9 =	sor.u32 $0xD0000000, s2;
	s6 =	simm.s32 $0x108;
	_ =	swait.ge @!p0 [sflag:s8], $0x0  }
0x24: {  	s3 =	sadd.s32 $0x88, s3;
	s6 =	simm.s32 @!p1 $0x1082;
	[sflag:s4] =	ssyncset.s32 $0xFFFFF086  }
0x25: {  	[simem:s6], [sflag:s4] =	dma.local [hbm:s3], $0xF7A  }
0x26: {  	[smem:$0x3F93] =	sst s1;
	(tag) =	ssettag s2;
	_ =	strace s9  }
0x27: {  	s1 =	sld [smem:$0x3FA3]  }
0x28: {  	s2 =	sld [smem:$0x3FA4]  }
0x29: {  	s4 =	sld [smem:$0x3FA6]  }
0x2a: {  	p0 =	seq.s32 s5, $0x0;
	s5 =	sld [smem:$0x3FA7]  }
0x2b: {  	s6 =	sld [smem:$0x3FA8]  }
0x2c: {  	s7 =	sld [smem:$0x3FA9]  }
0x2d: {  	s3 =	simm.s32 $0x108;
	s8 =	sld [smem:$0x3FAA]  }
0x2e: {  	s3 =	simm.s32 @!p0 $0x1082;
	s9 =	sld [smem:$0x3FAB]  }
0x2f: {  	lr =	sadd.s32 s0, s3;
	s0 =	sld [smem:$0x3FA2]  }
0x30: {  	s3 =	sld [smem:$0x3FA5]  }
0x31: {  	[smem:$0x3FAE] =	sst s10  }
0x32: {  	s10 =	sld [smem:$0x3FAC];
	_ =	sdelay $0x3  }
0x33: {  	p0 =	seq.s32 s10, $0x1;
	s10 =	sld [smem:$0x3FAE];
	_ =	sdelay $0x3  }
0x34: {  	[smem:$0x3FAE] =	sst s10  }
0x35: {  	s10 =	sld [smem:$0x3FAD];
	_ =	sdelay $0x3  }
0x36: {  	p1 =	seq.s32 s10, $0x1;
	s10 =	sld [smem:$0x3FAE];
	_ =	sdelay $0x3  }
0x37: {  	[smem:$0x3FAE] =	sst s10  }
0x38: {  	s10 =	sld [smem:$0x3FAF]  }
0x39: {  	_ = 	snop;
	(pc) =	sbr.ind lr, $3  }
0x3a: {  	_ = 	snop  }
0x3b: {  	_ = 	snop  }
0x3c: {  	p2 =	seq.s32 s10, $0x1;
	s10 =	sld [smem:$0x3FAE]  }
0x3d: {  	_ =	shalt  }
0x3e: {  	_ =	shalt  }
0x3f: {  	_ =	shalt  }
0x40: {  	_ =	shalt  }
0x41: {  	_ =	shalt  }
0x42: {  	_ =	shalt  }
0x43: {  	_ =	shalt  }
0x44: {  	_ =	shalt  }
0x45: {  	_ =	shalt  }
0x46: {  	_ =	shalt  }
0x47: {  	_ =	shalt  }
0x48: {  	_ =	shalt  }
0x49: {  	_ =	shalt  }
0x4a: {  	_ =	shalt  }
0x4b: {  	_ =	shalt  }
0x4c: {  	_ =	shalt  }
0x4d: {  	_ =	shalt  }
0x4e: {  	_ =	shalt  }
0x4f: {  	_ =	shalt  }
0x50: {  	_ =	shalt  }
0x51: {  	_ =	shalt  }
0x52: {  	_ =	shalt  }
0x53: {  	_ =	shalt  }
0x54: {  	_ =	shalt  }
0x55: {  	_ =	shalt  }
0x56: {  	_ =	shalt  }
0x57: {  	_ =	shalt  }
0x58: {  	_ =	shalt  }
0x59: {  	_ =	shalt  }
0x5a: {  	_ =	shalt  }
0x5b: {  	_ =	shalt  }
0x5c: {  	_ =	shalt  }
0x5d: {  	_ =	shalt  }
0x5e: {  	_ =	shalt  }
0x5f: {  	_ =	shalt  }
0x60: {  	_ =	shalt  }
0x61: {  	_ =	shalt  }
0x62: {  	_ =	shalt  }
0x63: {  	_ =	shalt  }
0x64: {  	_ =	shalt  }
0x65: {  	_ =	shalt  }
0x66: {  	_ =	shalt  }
0x67: {  	_ =	shalt  }
0x68: {  	_ =	shalt  }
0x69: {  	_ =	shalt  }
0x6a: {  	_ =	shalt  }
0x6b: {  	_ =	shalt  }
0x6c: {  	_ =	shalt  }
0x6d: {  	_ =	shalt  }
0x6e: {  	_ =	shalt  }
0x6f: {  	_ =	shalt  }
0x70: {  	_ =	shalt  }
0x71: {  	_ =	shalt  }
0x72: {  	_ =	shalt  }
0x73: {  	_ =	shalt  }
0x74: {  	_ =	shalt  }
0x75: {  	_ =	shalt  }
0x76: {  	_ =	shalt  }
0x77: {  	_ =	shalt  }
0x78: {  	_ =	shalt  }
0x79: {  	_ =	shalt  }
0x7a: {  	_ =	shalt  }
0x7b: {  	_ =	shalt  }
0x7c: {  	_ =	shalt  }
0x7d: {  	_ =	shalt  }
0x7e: {  	_ =	shalt  }
0x7f: {  	_ =	shalt  }
0x80: {  	_ =	shalt  }
0x81: {  	_ =	shalt  }
0x82: {  	_ =	shalt  }
0x83: {  	_ =	shalt  }
0x84: {  	_ =	shalt  }
0x85: {  	_ =	shalt  }
0x86: {  	_ =	shalt  }
0x87: {  	_ =	shalt  }
.Lfunc_end0:
.L_simem_size_0:
called_computation_lowered:
.L_overlay_start_0:
0x88: {  	s2 =	sld [smem:$0x3FD9]  }
0x89: {  	s3 =	sld [smem:$0x3FFE];
	_ =	sdelay $0x1  }
0x8a: {  	s1 =	srdreg.scid  }
0x8b: {  	s0 =	sand.u32 $0x1, s1  }
0x8c: {  	s16 =	sshll.u32 s0, $0xA;
	s2 =	sadd.s32 s3, s2  }
0x8d: {  	s2 =	sadd.s32 s2, s16  }
0x8e: {  	[smem:$0x3FBA] =	sst s2  }
0x8f: {  	_ = 	snop  }
0x90: {  	(tm) =	ssettm $0x1  }
0x91: {  	s17 =	sld [smem:$0x3FFB];
	_ =	sdelay $0x3  }
0x92: {  	_ =	strace s17  }
0x93: {  	s2 =	sld [smem:$0x3FFC];
	_ =	sdelay $0x3  }
0x94: {  	_ =	strace s2  }
0x95: {  	s2 =	sld [smem:$0x3FFD];
	_ =	sdelay $0x3  }
0x96: {  	_ =	strace s2  }
0x97: {  	_ =	strace $0x8FFFFFFF  }
0x98: {  	s18 =	sld [smem:$0x3FDB];
	_ =	sdelay $0x1  }
0x99: {  	s19 =	simm.s32 $_scs_section_size  }
0x9a: {  	s4 =	simm.s32 $_size__tile_overlayer_lowered;
	s5 =	simm.s32 $_tile_overlayer_lowered  }
0x9b: {  	s22 =	simm.s32 $0x1BFF;
	s21 =	sshll.u32 s5, $0x1;
	s2 =	sadd.s32 s19, s18  }
0x9c: {  	s6 =	simm.s32 $0x0;
	s20 =	sshll.u32 s4, $0x1;
	s4 =	sadd.s32 s21, s2  }
0x9d: {  	[timem:s6], [sflag:s22] =	dma.local [hbm:s4], s20  }
0x9e: {  	_ =	swait.ge [sflag:s22], s20  }
0x9f: {  	s3 =	ssub.s32 $0x0, s20;
	[sflag:s22] =	ssyncset.done $0x0  }
0xa0: {  	[sflag:s22] =	ssyncadd.s32 s3;
	_ =	sdelay $0x1  }
0xa1: {  	s23 =	simm.s32 $0x1B8B  }
0xa2: {  	_ =	swait.ge [sflag:s23], $0x1  }
0xa3: {  	[sflag:s23] =	ssyncset.done $0x0  }
0xa4: {  	s25 =	simm.s32 $0x1B8E;
	s24 =	sld [smem:$0x3FFE];
	[sflag:s23] =	ssyncadd.s32 $0xFFFFFFFF  }
0xa5: {  	s26 =	simm.s32 $execute0_lowered;
	[smem:$0x3FD2] =	sst s25  }
0xa6: {  	s4 =	sshll.u32 s26, $0x1;
	_ =	strace $0x80000046;
	[dreg:$0x1] =	wrdreg $0xFFFFFFFF  }
0xa7: {  	s28 =	simm.s32 $_size_execute0_lowered;
	s2 =	sadd.s32 s2, s4;
	[dreg:$0x0] =	wrdreg $0x0  }
0xa8: {  	s4 =	sshll.u32 s28, $0x1;
	[dreg:$0x2] =	wrdreg s2  }
0xa9: {  	[dreg:$0x3] =	wrdreg s4  }
0xaa: {  	[dreg:$0x4] =	wrdreg $0xC0  }
0xab: {  	_ =	task [dreg:s6], $0x5FFFF  }
0xac: {  	[dreg:$0x1] =	wrdreg $0xFFFFFFFF  }
0xad: {  	[dreg:$0x0] =	wrdreg $0x60  }
0xae: {  	[dreg:$0x2] =	wrdreg s24  }
0xaf: {  	[dreg:$0x3] =	wrdreg $0x9  }
0xb0: {  	_ =	task.clear_ibuf [dreg:s6], $0x4FFFF;
	_ =	strace $0x90000046  }
0xb1: {  	s29 =	simm.s32 $0x9;
	_ =	strace $0x80000048  }
0xb2: {  	_ =	swait.ge [sflag:s29], $0x1  }
0xb3: {  	[sflag:s29] =	ssyncadd.s32 $0xFFFFFFFF  }
0xb4: {  	_ =	strace $0x90000048  }
0xb5: {  	_ =	sfence  }
0xb6: {  	s30 =	sld [smem:$0x0];
	_ =	sdelay $0x2  }
0xb7: {  	s31 =	sshll.u32 s1, $0xD;
	s1 =	sshrl.u32 s1, $0x2  }
0xb8: {  	s3 =	sand.u32 $0x4000, s31;
	s1 =	sadd.s32 s1, s30  }
0xb9: {  	s0 =	sor.u32 s3, s0;
	s1 =	sshll.u32 s1, $0x11  }
0xba: {  	s0 =	sor.u32 s1, s0  }
0xbb: {  	s0 =	sadd.s32 $0x8F2B, s0  }
0xbc: {  	[sflag:s0] =	ssyncadd.remote.s32 $0x1  }
0xbd: {  	_ =	sfence.sel $0xFFFF  }
0xbe: {  	[dreg:$0x0] =	wrdreg $0xFFFFFFFF;
	(pc) =	sbr.abs _section_cstart, $3  }
0xbf: {  	[dreg:$0x1] =	wrdreg $0xFFFFFFFF  }
0xc0: {  	_ =	task.clear_ibuf [dreg:s6], $0x2FFFF;
	_ =	strace $0x9FFFFFFF  }
0xc1: {  	(tm) =	ssettm $0x7FFFFFFF  }
tec
execute0_lowered:
.L_overlay_start_1:
0x0: {  	(tag) =	ssettag $0x1  }
0x1: {  	v0 =	vimm.s32 $0x1B80;
	vm0 =	vcmask $0x300  }
0x2: {  	vm14 =	vcmask $0x704;
	v0 =	vsel vm0, $0x0, v0  }
0x3: {  	s4 =	rddreg [dreg:$0x0];
	vm15 =	vcmask $0xB08;
	v0 =	vsel vm14, $0x80, v0  }
0x4: {  	s0 =	rddreg [dreg:$0x1];
	vm4 =	vcmask $0xF0C;
	v0 =	vsel vm15, $0x100, v0  }
0x5: {  	s1 =	stileid.u32;
	s2 =	srdreg.scid;
	vm5 =	vcmask $0x1310;
	s10 =	simm.s32 $0x200;
	v0 =	vsel vm4, $0x180, v0  }
0x6: {  	vm6 =	vcmask $0x1714;
	s11 =	simm.s32 $0x11180;
	s12 =	simm.s32 $0x12980;
	s13 =	simm.s32 $0x1800;
	v1 =	vsel vm5, $0x200, v0  }
0x7: {  	vm7 =	vcmask $0x1B18;
	vm8 =	vcmask $0x1F1C;
	s14 =	simm.s32 $0x6000;
	s15 =	simm.s32 $0x0;
	s3 =	sshll.u32 s1, $0x1;
	v2 =	vsel vm6, $0x280, v1  }
0x8: {  	vm9 =	vcmask $0x2320;
	vm10 =	vcmask $0x2724;
	s5 =	sshrl.u32 s1, $0x1;
	s6 =	sand.u32 $0x1, s2;
	s2 =	simm.s32 $0x0;
	v3 =	vsel vm7, $0x300, v2  }
0x9: {  	vm11 =	vcmask $0x2B28;
	vm12 =	vcmask $0x2F2C;
	s3 =	sand.u32 $0x2, s3;
	s7 =	smul.u32 $0x6000, s5;
	[smem:$0x7FF] =	sst s2;
	v4 =	vsel vm8, $0x380, v3  }
0xa: {  	vm13 =	vcmask $0x3330;
	s5 =	smul.u32 $0xC000, s5;
	vm14 =	vcmask $0x3734;
	s8 =	sor.u32 s6, s3;
	_ =	strace $0x80000047;
	v5 =	vsel vm9, $0x1800, v4  }
0xb: {  	s6 =	ssub.s32 $0x2, s6;
	vm15 =	vcmask $0x3B38;
	s9 =	smul.u32 $0x1800, s8;
	s8 =	sshll.u32 s8, $0x7;
	v0 =	vimm.s32 $0x0;
	v6 =	vsel vm10, $0x1880, v5  }
0xc: {  	s3 =	sadd.s32 $0x8400, s4;
	s31 =	sshrl.u32 s6, $0x1;
	s7 =	sor.u32 s7, s8;
	v1 =	vimm.s32 $0xFFFFFFFF;
	v2 =	vlaneseq.u32;
	v7 =	vsel vm11, $0x1900, v6  }
0xd: {  	s6 =	ssub.s32 s6, s31;
	s8 =	simm.s32 $0x1;
	s5 =	sadd.s32 s5, s9;
	v3 =	vmul.u32 $0x20, v2;
	v10 =	vor.u32 $0xE150, v2;
	v8 =	vsel vm12, $0x1980, v7  }
0xe: {  	s7 =	sshrl.u32 s7, $0x3;
	s6 =	smax.u32 s6, $0x1;
	s5 =	sshrl.u32 s5, $0x3;
	v4 =	vor.u32 $0x2030, v2;
	v5 =	vor.u32 $0x4060, v2;
	v9 =	vsel vm13, $0x1A00, v8  }
0xf: {  	s9 =	simm.s32 $0x80;
	s7 =	sadd.s32 s7, s4;
	s5 =	sadd.s32 s5, s4;
	v6 =	vor.u32 $0x6090, v2;
	v7 =	vor.u32 $0x80C0, v2;
	v11 =	vsel vm14, $0x1A80, v9  }
0x10: {  	s4 =	sadd.s32 $0x2400, s7;
	s7 =	simm.s32 $0x10180;
	s5 =	sadd.s32 $0x8600, s5;
	v8 =	vor.u32 $0xA0F0, v2;
	v9 =	vor.u32 $0xC120, v2;
	v11 =	vsel vm15, $0x1B00, v11  }
.LBB2_1:
0x11: {  	[tilespmem:s7], [sflag:$0x1] =	stream.linear.gather [hbm4b:s3+s2], $0x1000, $0x38;
	[tilespmem:$0x15980] =	vst v63  }
0x12: {  	_ =	swait.ge [sflag:s8], $0x1000  }
0x13: {  	[sflag:s8] =	ssyncset.done $0x0  }
0x14: {  	[sflag:s8] =	ssyncadd.s32 $0xFFFFF000  }
0x15: {  	[tilespmem:s11], [sflag:$0x1] =	stream.strided.gather [hbm4b:s4+s9], $0x1800, s10, s9, $0x38;
	[tilespmem:$0x15980] =	vst v63  }
0x16: {  	_ =	swait.ge [sflag:s8], $0x1800  }
0x17: {  	[sflag:s8] =	ssyncset.done $0x0  }
0x18: {  	s16 =	simm.s32 $0x0;
	s17 =	simm.s32 $0x200;
	[sflag:s8] =	ssyncadd.s32 $0xFFFFE800  }
.LBB2_2:
0x19: {  	p0 =	sne.s32 s17, $0x40400;
	[tilespmem:s16+$0x70] =	vst v0  }
0x1a: {  	[tilespmem:s16+$0x0] =	vst v0  }
0x1b: {  	[tilespmem:s16+$0x10] =	vst v0  }
.Ltmp0:
0x1c: {  	[tilespmem:s16+$0x20] =	vst v0;
	(pc) =	sbr.rel @p0 .LBB2_2-.Ltmp0, $4  }
0x1d: {  	[tilespmem:s16+$0x30] =	vst v0  }
0x1e: {  	[tilespmem:s16+$0x40] =	vst v0  }
0x1f: {  	[tilespmem:s16+$0x50] =	vst v0  }
0x20: {  	[tilespmem:s16+$0x60] =	vst v0;
	s16 =	sshra.s32 s17, $0x2;
	s17 =	sadd.s32 $0x200, s17  }
0x21: {  	[tilespmem:s16+$0x70] =	vst v0  }
0x22: {  	[tilespmem:s16+$0x0] =	vst v0  }
0x23: {  	[tilespmem:s16+$0x10] =	vst v0  }
0x24: {  	[tilespmem:s16+$0x20] =	vst v0  }
0x25: {  	[tilespmem:s16+$0x30] =	vst v0  }
0x26: {  	[tilespmem:s16+$0x40] =	vst v0  }
0x27: {  	[tilespmem:s16+$0x50] =	vst v0  }
0x28: {  	[tilespmem:s16+$0x60] =	vst v0  }
0x29: {  	[tilespmem:$0x0] =	vst v1  }
0x2a: {  	[tilespmem:$0x2030] =	vst v1  }
0x2b: {  	s17 =	simm.s32 $0x0;
	[tilespmem:$0x4060] =	vst v1  }
0x2c: {  	[tilespmem:$0x6090] =	vst v1;
	v12 =	vor.u32 s17, v3  }
0x2d: {  	[tilespmem:$0x80C0] =	vst v1  }
0x2e: {  	[tilespmem:$0xA0F0] =	vst v1  }
0x2f: {  	[tilespmem:$0xC120] =	vst v1  }
0x30: {  	[tilespmem:$0xE150] =	vst v1  }
0x31: {  	v12 =	vld.idx.msk [tilespmem:v12+s7+$0x0], $0xffff;
	_ =	sdelay $0x4  }
0x32: {  	v12 =	vshll.u32 v12, $0x4  }
0x33: {  	s18 =	simm.s32 $0x1;
	v12 =	vor.u32 v2, v12  }
0x34: {  	s19 =	simm.s32 $0x2;
	s20 =	simm.s32 $0x0;
	s16 =	simm.s32 $0x1;
	v13 =	vor.u32 s18, v3  }
.LBB2_4:
0x35: {  	p0 =	sne.s32 s19, $0x1F  }
0x36: {  	s21 =	sshll.u32 s8, s20;
	s20 =	smov.u32 s16;
	s16 =	smov.u32 s19  }
0x37: {  	v14 =	vmov s21  }
0x38: {  	[tilespmem:v12+s17+$0x0] =	vst.idx.add.s32.msk $0xffff, v14  }
0x39: {  	v12 =	vld.idx.msk [tilespmem:v13+s7+$0x0], $0xffff;
	_ =	sdelay $0x3  }
.Ltmp1:
0x3a: {  	(pc) =	sbr.rel @p0 .LBB2_4-.Ltmp1, $4  }
0x3b: {  	_ = 	snop  }
0x3c: {  	v12 =	vshll.u32 v12, $0x4  }
0x3d: {  	v12 =	vor.u32 v2, v12  }
0x3e: {  	s19 =	sadd.s32 $0x1, s19;
	v13 =	vor.u32 s16, v3  }
0x3f: {  	_ =	sdelay $0x1  }
0x40: {  	s19 =	sshll.u32 s8, s20  }
0x41: {  	v14 =	vmov s19  }
0x42: {  	[tilespmem:v12+s17+$0x0] =	vst.idx.add.s32.msk $0xffff, v14  }
0x43: {  	v12 =	vld.idx.msk [tilespmem:v13+s7+$0x0], $0xffff;
	_ =	sdelay $0x4  }
0x44: {  	v12 =	vshll.u32 v12, $0x4  }
0x45: {  	s31 =	simm.s32 $0x200;
	v12 =	vor.u32 v2, v12  }
0x46: {  	v13 =	vor.u32 s31, v3;
	_ =	sdelay $0x1  }
0x47: {  	s16 =	sshll.u32 s8, s16  }
0x48: {  	v14 =	vmov s16  }
0x49: {  	[tilespmem:v12+s17+$0x0] =	vst.idx.add.s32.msk $0xffff, v14  }
0x4a: {  	v12 =	vld.idx.msk [tilespmem:v13+s7+$0x0], $0xffff;
	_ =	sdelay $0x4  }
0x4b: {  	v12 =	vshll.u32 v12, $0x4  }
0x4c: {  	s20 =	simm.s32 $0x201;
	s19 =	simm.s32 $0x2;
	v12 =	vadd.s32 v4, v12  }
.LBB2_6:
0x4d: {  	p0 =	sne.s32 s19, $0x1F;
	v13 =	vor.u32 s20, v3;
	_ =	sdelay $0x1  }
0x4e: {  	s16 =	sshll.u32 s8, s17;
	s17 =	smov.u32 s18;
	s18 =	smov.u32 s19  }
0x4f: {  	v14 =	vmov s16;
	s16 =	simm.s32 $0x0  }
0x50: {  	[tilespmem:v12+s16+$0x0] =	vst.idx.add.s32.msk $0xffff, v14  }
0x51: {  	v12 =	vld.idx.msk [tilespmem:v13+s7+$0x0], $0xffff;
	_ =	sdelay $0x2  }
.Ltmp2:
0x52: {  	(pc) =	sbr.rel @p0 .LBB2_6-.Ltmp2, $3  }
0x53: {  	_ =	sdelay $0x1  }
0x54: {  	v12 =	vshll.u32 v12, $0x4  }
0x55: {  	s19 =	sadd.s32 $0x1, s19;
	s20 =	sadd.s32 $0x200, s18;
	v12 =	vadd.s32 v4, v12  }
0x56: {  	v13 =	vor.u32 s20, v3;
	_ =	sdelay $0x1  }
0x57: {  	s17 =	sshll.u32 s8, s17  }
0x58: {  	v14 =	vmov s17  }
0x59: {  	[tilespmem:v12+s16+$0x0] =	vst.idx.add.s32.msk $0xffff, v14  }
0x5a: {  	v12 =	vld.idx.msk [tilespmem:v13+s7+$0x0], $0xffff;
	_ =	sdelay $0x4  }
0x5b: {  	v12 =	vshll.u32 v12, $0x4  }
0x5c: {  	s30 =	simm.s32 $0x400;
	v12 =	vadd.s32 v4, v12  }
0x5d: {  	v13 =	vor.u32 s30, v3;
	_ =	sdelay $0x1  }
0x5e: {  	s31 =	sshll.u32 s8, s18  }
0x5f: {  	v14 =	vmov s31  }
0x60: {  	[tilespmem:v12+s16+$0x0] =	vst.idx.add.s32.msk $0xffff, v14  }
0x61: {  	v12 =	vld.idx.msk [tilespmem:v13+s7+$0x0], $0xffff;
	_ =	sdelay $0x4  }
0x62: {  	s18 =	simm.s32 $0x1;
	s21 =	simm.s32 $0x401;
	v12 =	vshll.u32 v12, $0x4  }
0x63: {  	s19 =	simm.s32 $0x2;
	s20 =	simm.s32 $0x0;
	s17 =	simm.s32 $0x1;
	v12 =	vadd.s32 v5, v12  }
.LBB2_8:
0x64: {  	p0 =	sne.s32 s19, $0x1F;
	v13 =	vor.u32 s21, v3;
	_ =	sdelay $0x1  }
0x65: {  	s21 =	sshll.u32 s8, s20;
	s20 =	smov.u32 s17;
	s17 =	smov.u32 s19  }
0x66: {  	v14 =	vmov s21  }
0x67: {  	[tilespmem:v12+s16+$0x0] =	vst.idx.add.s32.msk $0xffff, v14  }
0x68: {  	v12 =	vld.idx.msk [tilespmem:v13+s7+$0x0], $0xffff;
	_ =	sdelay $0x2  }
.Ltmp3:
0x69: {  	(pc) =	sbr.rel @p0 .LBB2_8-.Ltmp3, $3  }
0x6a: {  	_ =	sdelay $0x1  }
0x6b: {  	v12 =	vshll.u32 v12, $0x4  }
0x6c: {  	s19 =	sadd.s32 $0x1, s19;
	s21 =	sadd.s32 $0x400, s17;
	v12 =	vadd.s32 v5, v12  }
0x6d: {  	v13 =	vor.u32 s21, v3;
	_ =	sdelay $0x1  }
0x6e: {  	s19 =	sshll.u32 s8, s20  }
0x6f: {  	v14 =	vmov s19  }
0x70: {  	[tilespmem:v12+s16+$0x0] =	vst.idx.add.s32.msk $0xffff, v14  }
0x71: {  	v12 =	vld.idx.msk [tilespmem:v13+s7+$0x0], $0xffff;
	_ =	sdelay $0x4  }
0x72: {  	v12 =	vshll.u32 v12, $0x4  }
0x73: {  	s31 =	simm.s32 $0x600;
	v12 =	vadd.s32 v5, v12  }
0x74: {  	v13 =	vor.u32 s31, v3;
	_ =	sdelay $0x1  }
0x75: {  	s17 =	sshll.u32 s8, s17  }
0x76: {  	v14 =	vmov s17  }
0x77: {  	[tilespmem:v12+s16+$0x0] =	vst.idx.add.s32.msk $0xffff, v14  }
0x78: {  	v12 =	vld.idx.msk [tilespmem:v13+s7+$0x0], $0xffff;
	_ =	sdelay $0x4  }
0x79: {  	v12 =	vshll.u32 v12, $0x4  }
0x7a: {  	s20 =	simm.s32 $0x601;
	s19 =	simm.s32 $0x2;
	v12 =	vadd.s32 v6, v12  }
.LBB2_10:
0x7b: {  	p0 =	sne.s32 s19, $0x1F;
	v13 =	vor.u32 s20, v3;
	_ =	sdelay $0x1  }
0x7c: {  	s17 =	sshll.u32 s8, s16;
	s16 =	smov.u32 s18;
	s18 =	smov.u32 s19  }
0x7d: {  	v14 =	vmov s17;
	s17 =	simm.s32 $0x0  }
0x7e: {  	[tilespmem:v12+s17+$0x0] =	vst.idx.add.s32.msk $0xffff, v14  }
0x7f: {  	v12 =	vld.idx.msk [tilespmem:v13+s7+$0x0], $0xffff;
	_ =	sdelay $0x2  }
.Ltmp4:
0x80: {  	(pc) =	sbr.rel @p0 .LBB2_10-.Ltmp4, $3  }
0x81: {  	_ =	sdelay $0x1  }
0x82: {  	v12 =	vshll.u32 v12, $0x4  }
0x83: {  	s19 =	sadd.s32 $0x1, s19;
	s20 =	sadd.s32 $0x600, s18;
	v12 =	vadd.s32 v6, v12  }
0x84: {  	v13 =	vor.u32 s20, v3;
	_ =	sdelay $0x1  }
0x85: {  	s16 =	sshll.u32 s8, s16  }
0x86: {  	v14 =	vmov s16  }
0x87: {  	[tilespmem:v12+s17+$0x0] =	vst.idx.add.s32.msk $0xffff, v14  }
0x88: {  	v12 =	vld.idx.msk [tilespmem:v13+s7+$0x0], $0xffff;
	_ =	sdelay $0x4  }
0x89: {  	v12 =	vshll.u32 v12, $0x4  }
0x8a: {  	s30 =	simm.s32 $0x800;
	v12 =	vadd.s32 v6, v12  }
0x8b: {  	v13 =	vor.u32 s30, v3;
	_ =	sdelay $0x1  }
0x8c: {  	s31 =	sshll.u32 s8, s18  }
0x8d: {  	v14 =	vmov s31  }
0x8e: {  	[tilespmem:v12+s17+$0x0] =	vst.idx.add.s32.msk $0xffff, v14  }
0x8f: {  	v12 =	vld.idx.msk [tilespmem:v13+s7+$0x0], $0xffff;
	_ =	sdelay $0x4  }
0x90: {  	s21 =	simm.s32 $0x801;
	s19 =	simm.s32 $0x2;
	v12 =	vshll.u32 v12, $0x4  }
0x91: {  	s20 =	simm.s32 $0x0;
	s18 =	simm.s32 $0x1;
	s16 =	simm.s32 $0x1;
	v12 =	vadd.s32 v7, v12  }
.LBB2_12:
0x92: {  	p0 =	sne.s32 s19, $0x1F;
	v13 =	vor.u32 s21, v3;
	_ =	sdelay $0x1  }
0x93: {  	s21 =	sshll.u32 s8, s20;
	s20 =	smov.u32 s18;
	s18 =	smov.u32 s19  }
0x94: {  	v14 =	vmov s21  }
0x95: {  	[tilespmem:v12+s17+$0x0] =	vst.idx.add.s32.msk $0xffff, v14  }
0x96: {  	v12 =	vld.idx.msk [tilespmem:v13+s7+$0x0], $0xffff;
	_ =	sdelay $0x2  }
.Ltmp5:
0x97: {  	(pc) =	sbr.rel @p0 .LBB2_12-.Ltmp5, $3  }
0x98: {  	_ =	sdelay $0x1  }
0x99: {  	v12 =	vshll.u32 v12, $0x4  }
0x9a: {  	s19 =	sadd.s32 $0x1, s19;
	s21 =	sadd.s32 $0x800, s18;
	v12 =	vadd.s32 v7, v12  }
0x9b: {  	v13 =	vor.u32 s21, v3;
	_ =	sdelay $0x1  }
0x9c: {  	s19 =	sshll.u32 s8, s20  }
0x9d: {  	v14 =	vmov s19  }
0x9e: {  	[tilespmem:v12+s17+$0x0] =	vst.idx.add.s32.msk $0xffff, v14  }
0x9f: {  	v12 =	vld.idx.msk [tilespmem:v13+s7+$0x0], $0xffff;
	_ =	sdelay $0x4  }
0xa0: {  	v12 =	vshll.u32 v12, $0x4  }
0xa1: {  	s31 =	simm.s32 $0xA00;
	v12 =	vadd.s32 v7, v12  }
0xa2: {  	v13 =	vor.u32 s31, v3;
	_ =	sdelay $0x1  }
0xa3: {  	s18 =	sshll.u32 s8, s18  }
0xa4: {  	v14 =	vmov s18  }
0xa5: {  	[tilespmem:v12+s17+$0x0] =	vst.idx.add.s32.msk $0xffff, v14  }
0xa6: {  	v12 =	vld.idx.msk [tilespmem:v13+s7+$0x0], $0xffff;
	_ =	sdelay $0x4  }
0xa7: {  	v12 =	vshll.u32 v12, $0x4  }
0xa8: {  	s20 =	simm.s32 $0xA01;
	s19 =	simm.s32 $0x2;
	v12 =	vadd.s32 v8, v12  }
.LBB2_14:
0xa9: {  	p0 =	sne.s32 s19, $0x1F;
	v13 =	vor.u32 s20, v3;
	_ =	sdelay $0x1  }
0xaa: {  	s18 =	sshll.u32 s8, s17;
	s17 =	smov.u32 s16;
	s16 =	smov.u32 s19  }
0xab: {  	v14 =	vmov s18;
	s18 =	simm.s32 $0x0  }
0xac: {  	[tilespmem:v12+s18+$0x0] =	vst.idx.add.s32.msk $0xffff, v14  }
0xad: {  	v12 =	vld.idx.msk [tilespmem:v13+s7+$0x0], $0xffff;
	_ =	sdelay $0x2  }
.Ltmp6:
0xae: {  	(pc) =	sbr.rel @p0 .LBB2_14-.Ltmp6, $3  }
0xaf: {  	_ =	sdelay $0x1  }
0xb0: {  	v12 =	vshll.u32 v12, $0x4  }
0xb1: {  	s19 =	sadd.s32 $0x1, s19;
	s20 =	sadd.s32 $0xA00, s16;
	v12 =	vadd.s32 v8, v12  }
0xb2: {  	v13 =	vor.u32 s20, v3;
	_ =	sdelay $0x1  }
0xb3: {  	s17 =	sshll.u32 s8, s17  }
0xb4: {  	v14 =	vmov s17  }
0xb5: {  	[tilespmem:v12+s18+$0x0] =	vst.idx.add.s32.msk $0xffff, v14  }
0xb6: {  	v12 =	vld.idx.msk [tilespmem:v13+s7+$0x0], $0xffff;
	_ =	sdelay $0x4  }
0xb7: {  	v12 =	vshll.u32 v12, $0x4  }
0xb8: {  	s31 =	simm.s32 $0xC00;
	v12 =	vadd.s32 v8, v12  }
0xb9: {  	v13 =	vor.u32 s31, v3;
	_ =	sdelay $0x1  }
0xba: {  	s16 =	sshll.u32 s8, s16  }
0xbb: {  	v14 =	vmov s16  }
0xbc: {  	[tilespmem:v12+s18+$0x0] =	vst.idx.add.s32.msk $0xffff, v14  }
0xbd: {  	v12 =	vld.idx.msk [tilespmem:v13+s7+$0x0], $0xffff;
	_ =	sdelay $0x4  }
0xbe: {  	s20 =	simm.s32 $0xC01;
	v12 =	vshll.u32 v12, $0x4  }
0xbf: {  	s19 =	simm.s32 $0x0;
	s17 =	simm.s32 $0x2;
	s16 =	simm.s32 $0x1;
	v12 =	vadd.s32 v9, v12  }
.LBB2_16:
0xc0: {  	p0 =	sne.s32 s17, $0x1F;
	v13 =	vor.u32 s20, v3;
	_ =	sdelay $0x1  }
0xc1: {  	s20 =	sshll.u32 s8, s19;
	s19 =	smov.u32 s16;
	s16 =	smov.u32 s17  }
0xc2: {  	v14 =	vmov s20  }
0xc3: {  	[tilespmem:v12+s18+$0x0] =	vst.idx.add.s32.msk $0xffff, v14  }
0xc4: {  	v12 =	vld.idx.msk [tilespmem:v13+s7+$0x0], $0xffff;
	_ =	sdelay $0x2  }
.Ltmp7:
0xc5: {  	(pc) =	sbr.rel @p0 .LBB2_16-.Ltmp7, $3  }
0xc6: {  	_ =	sdelay $0x1  }
0xc7: {  	v12 =	vshll.u32 v12, $0x4  }
0xc8: {  	s17 =	sadd.s32 $0x1, s17;
	s20 =	sadd.s32 $0xC00, s16;
	v12 =	vadd.s32 v9, v12  }
0xc9: {  	v13 =	vor.u32 s20, v3;
	_ =	sdelay $0x1  }
0xca: {  	s17 =	sshll.u32 s8, s19  }
0xcb: {  	v14 =	vmov s17  }
0xcc: {  	[tilespmem:v12+s18+$0x0] =	vst.idx.add.s32.msk $0xffff, v14  }
0xcd: {  	v12 =	vld.idx.msk [tilespmem:v13+s7+$0x0], $0xffff;
	_ =	sdelay $0x4  }
0xce: {  	v12 =	vshll.u32 v12, $0x4  }
0xcf: {  	v12 =	vadd.s32 v9, v12;
	_ =	sdelay $0x2  }
0xd0: {  	s16 =	sshll.u32 s8, s16  }
0xd1: {  	v63 =	vmov s16  }
0xd2: {  	[tilespmem:v12+s18+$0x0] =	vst.idx.add.s32.msk $0xffff, v63  }
.LBB2_18:
0xd3: {  	s16 =	sadd.s32 $0xE00, s18  }
0xd4: {  	v12 =	vor.u32 s16, v3;
	_ =	sdelay $0x4  }
0xd5: {  	v12 =	vld.idx.msk [tilespmem:v12+s7+$0x0], $0xffff;
	_ =	sdelay $0x4  }
0xd6: {  	v12 =	vshll.u32 v12, $0x4  }
0xd7: {  	p0 =	sne.s32 s18, $0x1F;
	v12 =	vadd.s32 v10, v12  }
.Ltmp8:
0xd8: {  	_ = 	snop;
	(pc) =	sbr.rel @p0 .LBB2_18-.Ltmp8, $4  }
0xd9: {  	_ = 	snop  }
0xda: {  	s31 =	sshll.u32 s8, s18  }
0xdb: {  	v13 =	vmov s31  }
0xdc: {  	s18 =	sadd.s32 $0x1, s18;
	[tilespmem:v12+s2+$0x0] =	vst.idx.add.s32.msk $0xffff, v13  }
0xdd: {  	s16 =	simm.s32 $0x3  }
.LBB2_20:
0xde: {  	s17 =	sadd.s32 $0xFFFFFFFD, s16  }
0xdf: {  	v12 =	vmov s17  }
0xe0: {  	v13 =	vand.u32 $0x3FC, v12  }
0xe1: {  	v14 =	vadd.s32 $0x300, v13  }
0xe2: {  	v15 =	vadd.s32 $0x600, v13  }
0xe3: {  	v16 =	vadd.s32 $0x900, v13  }
0xe4: {  	v17 =	vor.u32 $0xC00, v12  }
0xe5: {  	v19 =	vadd.s32 $0xF00, v13;
	v18 =	vld.idx.msk [tilespmem:v12+s11+$0x0], $0xffff  }
0xe6: {  	v20 =	vadd.s32 $0x1200, v13;
	v14 =	vld.idx.msk [tilespmem:v14+s11+$0x0], $0xffff  }
0xe7: {  	v13 =	vadd.s32 $0x1500, v13;
	v15 =	vld.idx.msk [tilespmem:v15+s11+$0x0], $0xffff  }
0xe8: {  	v16 =	vld.idx.msk [tilespmem:v16+s11+$0x0], $0xffff  }
0xe9: {  	v17 =	vld.idx.msk [tilespmem:v17+s11+$0x0], $0xffff  }
0xea: {  	v19 =	vld.idx.msk [tilespmem:v19+s11+$0x0], $0xffff;
	v18 =	vshll.u32 v18, $0x4  }
0xeb: {  	v20 =	vld.idx.msk [tilespmem:v20+s11+$0x0], $0xffff;
	v18 =	vor.u32 v2, v18;
	v14 =	vshll.u32 v14, $0x4  }
0xec: {  	v13 =	vld.idx.msk [tilespmem:v13+s11+$0x0], $0xffff;
	v15 =	vshll.u32 v15, $0x4;
	v14 =	vadd.s32 v4, v14  }
0xed: {  	v16 =	vshll.u32 v16, $0x4;
	v15 =	vadd.s32 v5, v15  }
0xee: {  	v17 =	vshll.u32 v17, $0x4;
	v16 =	vadd.s32 v6, v16  }
0xef: {  	v17 =	vadd.s32 v7, v17;
	v19 =	vshll.u32 v19, $0x4  }
0xf0: {  	v20 =	vshll.u32 v20, $0x4;
	v19 =	vadd.s32 v8, v19;
	v18 =	vld.idx.msk [tilespmem:v18+s2+$0x0], $0xffff  }
0xf1: {  	v13 =	vshll.u32 v13, $0x4;
	v20 =	vadd.s32 v9, v20;
	v14 =	vld.idx.msk [tilespmem:v14+s2+$0x0], $0xffff  }
0xf2: {  	v13 =	vadd.s32 v10, v13;
	v15 =	vld.idx.msk [tilespmem:v15+s2+$0x0], $0xffff  }
0xf3: {  	v16 =	vld.idx.msk [tilespmem:v16+s2+$0x0], $0xffff  }
0xf4: {  	v17 =	vld.idx.msk [tilespmem:v17+s2+$0x0], $0xffff  }
0xf5: {  	v21 =	vshll.u32 v12, $0x3;
	v19 =	vld.idx.msk [tilespmem:v19+s2+$0x0], $0xffff  }
0xf6: {  	v28 =	vand.u32 $0x1C00, v21;
	v12 =	vand.u32 $0x7C, v12;
	v27 =	vld.idx.msk [tilespmem:v20+s2+$0x0], $0xffff;
	v14 =	vand.u32 v18, v14  }
0xf7: {  	s30 =	sadd.s32 $0xFFFFFFFE, s16;
	v12 =	vor.u32 v12, v28;
	v13 =	vld.idx.msk [tilespmem:v13+s2+$0x0], $0xffff;
	v14 =	vand.u32 v15, v14  }
0xf8: {  	v29 =	vmov s30;
	v12 =	vadd.s32 v11, v12;
	v14 =	vand.u32 v16, v14  }
0xf9: {  	v30 =	vand.u32 $0x3FD, v29;
	v14 =	vand.u32 v17, v14  }
0xfa: {  	v31 =	vadd.s32 $0x300, v30;
	v14 =	vand.u32 v19, v14  }
0xfb: {  	v32 =	vadd.s32 $0x600, v30;
	v14 =	vand.u32 v27, v14  }
0xfc: {  	v33 =	vadd.s32 $0x900, v30;
	v13 =	vand.u32 v13, v14  }
0xfd: {  	v34 =	vor.u32 $0xC00, v29;
	[tilespmem:v12+s12+$0x0] =	vst.idx.msk $0xffff, v13  }
0xfe: {  	v35 =	vadd.s32 $0xF00, v30;
	v13 =	vld.idx.msk [tilespmem:v29+s11+$0x0], $0xffff  }
0xff: {  	v36 =	vadd.s32 $0x1200, v30;
	v17 =	vld.idx.msk [tilespmem:v31+s11+$0x0], $0xffff  }
0x100: {  	v16 =	vadd.s32 $0x1500, v30;
	v18 =	vld.idx.msk [tilespmem:v32+s11+$0x0], $0xffff  }
0x101: {  	v14 =	vld.idx.msk [tilespmem:v33+s11+$0x0], $0xffff  }
0x102: {  	v12 =	vld.idx.msk [tilespmem:v34+s11+$0x0], $0xffff  }
0x103: {  	v19 =	vld.idx.msk [tilespmem:v35+s11+$0x0], $0xffff;
	v13 =	vshll.u32 v13, $0x4  }
0x104: {  	v20 =	vld.idx.msk [tilespmem:v36+s11+$0x0], $0xffff;
	v17 =	vshll.u32 v17, $0x4;
	v13 =	vor.u32 v2, v13  }
0x105: {  	v16 =	vld.idx.msk [tilespmem:v16+s11+$0x0], $0xffff;
	v18 =	vshll.u32 v18, $0x4;
	v17 =	vadd.s32 v4, v17  }
0x106: {  	v14 =	vshll.u32 v14, $0x4;
	v18 =	vadd.s32 v5, v18  }
0x107: {  	v12 =	vshll.u32 v12, $0x4;
	v14 =	vadd.s32 v6, v14  }
0x108: {  	v19 =	vshll.u32 v19, $0x4;
	v12 =	vadd.s32 v7, v12  }
0x109: {  	v20 =	vshll.u32 v20, $0x4;
	v19 =	vadd.s32 v8, v19;
	v13 =	vld.idx.msk [tilespmem:v13+s2+$0x0], $0xffff  }
0x10a: {  	v16 =	vshll.u32 v16, $0x4;
	v20 =	vadd.s32 v9, v20;
	v17 =	vld.idx.msk [tilespmem:v17+s2+$0x0], $0xffff  }
0x10b: {  	v16 =	vadd.s32 v10, v16;
	v18 =	vld.idx.msk [tilespmem:v18+s2+$0x0], $0xffff  }
0x10c: {  	v14 =	vld.idx.msk [tilespmem:v14+s2+$0x0], $0xffff  }
0x10d: {  	v12 =	vld.idx.msk [tilespmem:v12+s2+$0x0], $0xffff  }
0x10e: {  	v37 =	vshll.u32 v29, $0x3;
	v19 =	vld.idx.msk [tilespmem:v19+s2+$0x0], $0xffff  }
0x10f: {  	v39 =	vand.u32 $0x1C00, v37;
	v15 =	vand.u32 $0x7D, v29;
	v38 =	vld.idx.msk [tilespmem:v20+s2+$0x0], $0xffff;
	v13 =	vand.u32 v13, v17  }
0x110: {  	s31 =	sadd.s32 $0xFFFFFFFF, s16;
	v15 =	vor.u32 v15, v39;
	v16 =	vld.idx.msk [tilespmem:v16+s2+$0x0], $0xffff;
	v13 =	vand.u32 v18, v13  }
0x111: {  	v41 =	vmov s31;
	v40 =	vadd.s32 v11, v15;
	v13 =	vand.u32 v14, v13  }
0x112: {  	v42 =	vand.u32 $0x3FE, v41;
	v12 =	vand.u32 v12, v13  }
0x113: {  	v43 =	vadd.s32 $0x300, v42;
	v12 =	vand.u32 v19, v12  }
0x114: {  	v44 =	vadd.s32 $0x600, v42;
	v12 =	vand.u32 v38, v12  }
0x115: {  	v45 =	vadd.s32 $0x900, v42;
	v12 =	vand.u32 v16, v12  }
0x116: {  	v46 =	vor.u32 $0xC00, v41;
	[tilespmem:v40+s12+$0x0] =	vst.idx.msk $0xffff, v12  }
0x117: {  	v47 =	vadd.s32 $0xF00, v42;
	v14 =	vld.idx.msk [tilespmem:v41+s11+$0x0], $0xffff  }
0x118: {  	v48 =	vadd.s32 $0x1200, v42;
	v18 =	vld.idx.msk [tilespmem:v43+s11+$0x0], $0xffff  }
0x119: {  	v13 =	vadd.s32 $0x1500, v42;
	v17 =	vld.idx.msk [tilespmem:v44+s11+$0x0], $0xffff  }
0x11a: {  	v16 =	vld.idx.msk [tilespmem:v45+s11+$0x0], $0xffff  }
0x11b: {  	v12 =	vld.idx.msk [tilespmem:v46+s11+$0x0], $0xffff  }
0x11c: {  	v19 =	vld.idx.msk [tilespmem:v47+s11+$0x0], $0xffff;
	v14 =	vshll.u32 v14, $0x4  }
0x11d: {  	v20 =	vld.idx.msk [tilespmem:v48+s11+$0x0], $0xffff;
	v18 =	vshll.u32 v18, $0x4;
	v14 =	vor.u32 v2, v14  }
0x11e: {  	v13 =	vld.idx.msk [tilespmem:v13+s11+$0x0], $0xffff;
	v17 =	vshll.u32 v17, $0x4;
	v18 =	vadd.s32 v4, v18  }
0x11f: {  	v16 =	vshll.u32 v16, $0x4;
	v17 =	vadd.s32 v5, v17  }
0x120: {  	v12 =	vshll.u32 v12, $0x4;
	v16 =	vadd.s32 v6, v16  }
0x121: {  	v19 =	vshll.u32 v19, $0x4;
	v12 =	vadd.s32 v7, v12  }
0x122: {  	v20 =	vshll.u32 v20, $0x4;
	v19 =	vadd.s32 v8, v19;
	v14 =	vld.idx.msk [tilespmem:v14+s2+$0x0], $0xffff  }
0x123: {  	v13 =	vshll.u32 v13, $0x4;
	v20 =	vadd.s32 v9, v20;
	v18 =	vld.idx.msk [tilespmem:v18+s2+$0x0], $0xffff  }
0x124: {  	v13 =	vadd.s32 v10, v13;
	v17 =	vld.idx.msk [tilespmem:v17+s2+$0x0], $0xffff  }
0x125: {  	v16 =	vld.idx.msk [tilespmem:v16+s2+$0x0], $0xffff  }
0x126: {  	v12 =	vld.idx.msk [tilespmem:v12+s2+$0x0], $0xffff  }
0x127: {  	v49 =	vshll.u32 v41, $0x3;
	v19 =	vld.idx.msk [tilespmem:v19+s2+$0x0], $0xffff  }
0x128: {  	v51 =	vand.u32 $0x1C00, v49;
	v15 =	vand.u32 $0x7E, v41;
	v50 =	vld.idx.msk [tilespmem:v20+s2+$0x0], $0xffff;
	v14 =	vand.u32 v14, v18  }
0x129: {  	v15 =	vor.u32 v15, v51;
	v13 =	vld.idx.msk [tilespmem:v13+s2+$0x0], $0xffff;
	v14 =	vand.u32 v17, v14  }
0x12a: {  	v52 =	vmov s16;
	v15 =	vadd.s32 v11, v15;
	v14 =	vand.u32 v16, v14  }
0x12b: {  	v53 =	vand.u32 $0x3FF, v52;
	v12 =	vand.u32 v12, v14  }
0x12c: {  	v54 =	vadd.s32 $0x300, v53;
	v12 =	vand.u32 v19, v12  }
0x12d: {  	v55 =	vadd.s32 $0x600, v53;
	v12 =	vand.u32 v50, v12  }
0x12e: {  	v56 =	vadd.s32 $0x900, v53;
	v12 =	vand.u32 v13, v12  }
0x12f: {  	v57 =	vor.u32 $0xC00, v52;
	[tilespmem:v15+s12+$0x0] =	vst.idx.msk $0xffff, v12  }
0x130: {  	v58 =	vadd.s32 $0xF00, v53;
	v15 =	vld.idx.msk [tilespmem:v52+s11+$0x0], $0xffff  }
0x131: {  	v59 =	vadd.s32 $0x1200, v53;
	v17 =	vld.idx.msk [tilespmem:v54+s11+$0x0], $0xffff  }
0x132: {  	v14 =	vadd.s32 $0x1500, v53;
	v18 =	vld.idx.msk [tilespmem:v55+s11+$0x0], $0xffff  }
0x133: {  	v13 =	vld.idx.msk [tilespmem:v56+s11+$0x0], $0xffff  }
0x134: {  	v12 =	vld.idx.msk [tilespmem:v57+s11+$0x0], $0xffff  }
0x135: {  	v19 =	vld.idx.msk [tilespmem:v58+s11+$0x0], $0xffff;
	v15 =	vshll.u32 v15, $0x4  }
0x136: {  	v20 =	vld.idx.msk [tilespmem:v59+s11+$0x0], $0xffff;
	v17 =	vshll.u32 v17, $0x4;
	v15 =	vor.u32 v2, v15  }
0x137: {  	v14 =	vld.idx.msk [tilespmem:v14+s11+$0x0], $0xffff;
	v18 =	vshll.u32 v18, $0x4;
	v17 =	vadd.s32 v4, v17  }
0x138: {  	v13 =	vshll.u32 v13, $0x4;
	v18 =	vadd.s32 v5, v18  }
0x139: {  	v12 =	vshll.u32 v12, $0x4;
	v13 =	vadd.s32 v6, v13  }
0x13a: {  	v19 =	vshll.u32 v19, $0x4;
	v12 =	vadd.s32 v7, v12  }
0x13b: {  	v20 =	vshll.u32 v20, $0x4;
	v19 =	vadd.s32 v8, v19;
	v15 =	vld.idx.msk [tilespmem:v15+s2+$0x0], $0xffff  }
0x13c: {  	v14 =	vshll.u32 v14, $0x4;
	v20 =	vadd.s32 v9, v20;
	v17 =	vld.idx.msk [tilespmem:v17+s2+$0x0], $0xffff  }
0x13d: {  	v14 =	vadd.s32 v10, v14;
	v18 =	vld.idx.msk [tilespmem:v18+s2+$0x0], $0xffff  }
0x13e: {  	v13 =	vld.idx.msk [tilespmem:v13+s2+$0x0], $0xffff  }
0x13f: {  	v12 =	vld.idx.msk [tilespmem:v12+s2+$0x0], $0xffff  }
0x140: {  	v60 =	vshll.u32 v52, $0x3;
	v19 =	vld.idx.msk [tilespmem:v19+s2+$0x0], $0xffff  }
0x141: {  	v62 =	vand.u32 $0x1C00, v60;
	v16 =	vand.u32 $0x7F, v52;
	v61 =	vld.idx.msk [tilespmem:v20+s2+$0x0], $0xffff;
	v15 =	vand.u32 v15, v17  }
0x142: {  	v16 =	vor.u32 v16, v62;
	v14 =	vld.idx.msk [tilespmem:v14+s2+$0x0], $0xffff;
	v15 =	vand.u32 v18, v15  }
0x143: {  	p0 =	sne.s32 s16, $0x2FF;
	v63 =	vadd.s32 v11, v16;
	v13 =	vand.u32 v13, v15  }
.Ltmp9:
0x144: {  	v12 =	vand.u32 v12, v13;
	(pc) =	sbr.rel @p0 .LBB2_20-.Ltmp9, $4  }
0x145: {  	v12 =	vand.u32 v19, v12  }
0x146: {  	v12 =	vand.u32 v61, v12  }
0x147: {  	v12 =	vand.u32 v14, v12  }
0x148: {  	s16 =	sadd.s32 $0x4, s16;
	[tilespmem:v63+s12+$0x0] =	vst.idx.msk $0xffff, v12  }
0x149: {  	s15 =	sadd.s32 $0x1, s15  }
0x14a: {  	p0 =	sne.s32 s15, s6  }
.Ltmp10:
0x14b: {  	_ = 	snop;
	(pc) =	sbr.rel @p0 .LBB2_1-.Ltmp10, $4  }
0x14c: {  	[hbm4b:s5+s13] =	stream.strided.scatter [tilespmem:s12], [sflag:$0x1], $0x3000, s14, s13, $0x38;
	[tilespmem:$0x15980] =	vst v63  }
0x14d: {  	_ =	swait.ge [sflag:s8], $0x3000  }
0x14e: {  	[sflag:s8] =	ssyncset.done $0x0  }
0x14f: {  	[sflag:s8] =	ssyncadd.s32 $0xFFFFD000  }
0x150: {  	_ =	sfence.sel $0x180000  }
0x151: {  	[bflag:$0x0] =	sbarrier.arrive $0xFFFF  }
0x152: {  	p0 =	sne.s32 s1, $0x0;
	_ =	strace $0x90000047  }
0x153: {  	s0 =	sadd.s32 @!p0 $0x100000, s0;
	[bflag:$0x2] =	sbarrier.arrive $0xFFFF  }
0x154: {  	[sflag:s0] =	ssyncadd.tile.s32 @!p0 $0x1;
	_ =	shalt  }
.Lfunc_end2:
_tile_overlayer_lowered:
.L_overlay_start_2:
0x155: {  	(tag) =	ssettag $0x2  }
0x156: {  	s0 =	rddreg [dreg:$0x0];
	s2 =	stileid.u32  }
0x157: {  	s1 =	rddreg [dreg:$0x1];
	p0 =	sne.s32 s2, $0x0  }
0x158: {  	s3 =	rddreg [dreg:$0x2];
	[bflag:$0x3] =	sbarrier.arrive $0xFFFF;
	s2 =	simm.s32 @!p0 $0x1C01  }
0x159: {  	[timem:s3], [sflag:s2] =	dma.local @!p0 [hbm:s0], s1  }
0x15a: {  	s0 =	simm.s32 @!p0 $0x1  }
0x15b: {  	_ =	swait.ge @!p0 [sflag:s0], s1  }
0x15c: {  	s1 =	ssub.s32 @!p0 $0x0, s1;
	[sflag:s0] =	ssyncset.done @!p0 $0x0  }
0x15d: {  	[sflag:s0] =	ssyncadd.s32 @!p0 s1  }
0x15e: {  	[bflag:$0x3] =	sbarrier.arrive $0xFFFF  }
0x15f: {  	_ =	shalt  }

</sc_bundles>
